<compile_context>
chip_gen: v7x
topology: tpu7x:2x2x1
jax: 0.10.2.dev20260603
libtpu: 0.0.44.dev20260713+nightly
codegen_flags: <defaults>
</compile_context>

<pallas_src>
import functools

import jax
import jax.numpy as jnp
from jax import lax
from jax.experimental import pallas as pl
from jax.experimental.pallas import tpu as pltpu
from jax.experimental.pallas import tpu_sc as plsc

NC = 2
NS = 16
NW = NC * NS
MAXLEN = 200
EMBED = 64
BATCH = 4096
LANES = 128
CHUNK = 128
BFLAT = BATCH * MAXLEN
NCHUNKS = BFLAT // CHUNK
CPW = NCHUNKS // NW
NBUF = 5


def _emb_body(x2_hbm, tab_hbm, pos2_hbm, out_hbm, idx_v, pos_v,
              b0, b1, b2, b3, b4, g0, g1, g2, g3, g4, o0, o1, o2, o3, o4):
    bufs = (b0, b1, b2, b3, b4)
    gsems = (g0, g1, g2, g3, g4)
    osems = (o0, o1, o2, o3, o4)

    wid = lax.axis_index("s") * NC + lax.axis_index("c")
    row0 = wid * CPW

    pltpu.sync_copy(pos2_hbm, pos_v)
    pltpu.sync_copy(x2_hbm.at[pl.ds(row0, CPW)], idx_v)

    def gstart(c, p):
        pltpu.make_async_copy(tab_hbm.at[idx_v.at[c]], bufs[p], gsems[p]).start()

    def gwait(c, p):
        pltpu.make_async_copy(tab_hbm.at[idx_v.at[c]], bufs[p], gsems[p]).wait()

    def odesc(c, p):
        dst = out_hbm.at[pl.ds((row0 + c) * CHUNK, CHUNK), pl.ds(0, EMBED)]
        return pltpu.make_async_copy(bufs[p], dst, osems[p])

    for p in range(NBUF - 1):
        gstart(p, p)

    @pl.loop(0, CPW, step=NBUF)
    def _(c):
        for k in range(NBUF):
            ck = c + k
            p = k
            pn = (k + NBUF - 1) % NBUF

            @pl.when(ck + NBUF - 1 < CPW)
            def _():
                @pl.when(ck >= 1)
                def _():
                    odesc(ck - 1, pn).wait()
                gstart(ck + NBUF - 1, pn)

            gwait(ck, p)
            buf = bufs[p]
            off = lax.rem(ck * CHUNK, MAXLEN)

            @plsc.parallel_loop(0, CHUNK, unroll=8)
            def _(r):
                for g in range(EMBED // 16):
                    s = pl.ds(g * 16, 16)
                    plsc.addupdate(buf.at[r, s], pos_v[off + r, s])

            odesc(ck, p).start()

    for k in range(NBUF):
        odesc(CPW - NBUF + k, k).wait()


@jax.jit
def kernel(x, token_table, pos_table):
    x2 = x.reshape(NCHUNKS, CHUNK).astype(jnp.int32)
    pos2 = jnp.concatenate([pos_table, pos_table], axis=0)

    mesh = plsc.VectorSubcoreMesh(core_axis_name="c", subcore_axis_name="s")
    run = pl.kernel(
        _emb_body,
        out_type=jax.ShapeDtypeStruct((BFLAT, LANES), jnp.float32),
        mesh=mesh,
        scratch_types=(
            [pltpu.VMEM((CPW, CHUNK), jnp.int32),
             pltpu.VMEM((2 * MAXLEN, EMBED), jnp.float32)]
            + [pltpu.VMEM((CHUNK, EMBED), jnp.float32)] * NBUF
            + [pltpu.SemaphoreType.DMA] * (2 * NBUF)
        ),
        compiler_params=pltpu.CompilerParams(use_tc_tiling_on_sc=False),
    )
    out128 = run(x2, token_table, pos2)
    return out128[:, :EMBED].reshape(BATCH, MAXLEN, EMBED)

# --- scband reference (transcript-rebuilt; emitter-appended) ---
"""Pipeline reference for scband-token-and-position-embedding-3659312136630 (READ-ONLY COPY).

The authoritative reference and input builder live on the scoring server;
editing this copy changes nothing except your own understanding.
"""

import jax, jax.numpy as jnp
import numpy as np

MAXLEN = 200
VOCAB_SIZE = 100000
EMBED_DIM = 64
BATCH = 4096

def setup_inputs(seed: int = 0) -> dict:
    key = jax.random.key(seed)
    k1, k2, k3 = jax.random.split(key, 3)
    x = jax.random.randint(k1, (BATCH, MAXLEN), 0, VOCAB_SIZE, dtype=jnp.int64 if jax.config.read('jax_enable_x64') else jnp.int32)
    token_table = jax.random.normal(k2, (VOCAB_SIZE, EMBED_DIM), dtype=jnp.float32) * 0.05
    pos_table = jax.random.normal(k3, (MAXLEN, EMBED_DIM), dtype=jnp.float32) * 0.05
    return {"x": x, "token_table": token_table, "pos_table": pos_table}

def reference(x, token_table, pos_table):
    # TokenAndPositionEmbedding.call
    maxlen = x.shape[-1]
    positions = jnp.arange(0, maxlen)
    pos_embedded = jnp.take(pos_table, positions, axis=0)  # [maxlen, embed_dim]
    tok_embedded = jnp.take(token_table, x, axis=0)        # [B, maxlen, embed_dim]
    return tok_embedded + pos_embedded

if __name__ == "__main__":
    import jax
    _d = setup_inputs()
    print(jax.jit(kernel)(*tuple(_d.values())))

</pallas_src>

<mosaic_0001>
#map = affine_map<(d0, d1) -> (0, 0)>
module attributes {stable_mosaic.version = 14 : i64} {
  func.func @_emb_body(%arg0: i32, %arg1: i32, %arg2: memref<6400x128xi32, #tpu.memory_space<hbm>>, %arg3: memref<100000x64xf32, #tpu.memory_space<hbm>>, %arg4: memref<400x64xf32, #tpu.memory_space<hbm>>, %arg5: memref<819200x128xf32, #tpu.memory_space<hbm>>, %arg6: memref<200x128xi32, #tpu.memory_space<vmem>>, %arg7: memref<400x64xf32, #tpu.memory_space<vmem>>, %arg8: memref<128x64xf32, #tpu.memory_space<vmem>>, %arg9: memref<128x64xf32, #tpu.memory_space<vmem>>, %arg10: memref<128x64xf32, #tpu.memory_space<vmem>>, %arg11: memref<128x64xf32, #tpu.memory_space<vmem>>, %arg12: memref<128x64xf32, #tpu.memory_space<vmem>>, %arg13: memref<!tpu.dma_semaphore, #tpu.memory_space<semaphore_mem>>, %arg14: memref<!tpu.dma_semaphore, #tpu.memory_space<semaphore_mem>>, %arg15: memref<!tpu.dma_semaphore, #tpu.memory_space<semaphore_mem>>, %arg16: memref<!tpu.dma_semaphore, #tpu.memory_space<semaphore_mem>>, %arg17: memref<!tpu.dma_semaphore, #tpu.memory_space<semaphore_mem>>, %arg18: memref<!tpu.dma_semaphore, #tpu.memory_space<semaphore_mem>>, %arg19: memref<!tpu.dma_semaphore, #tpu.memory_space<semaphore_mem>>, %arg20: memref<!tpu.dma_semaphore, #tpu.memory_space<semaphore_mem>>, %arg21: memref<!tpu.dma_semaphore, #tpu.memory_space<semaphore_mem>>, %arg22: memref<!tpu.dma_semaphore, #tpu.memory_space<semaphore_mem>>) attributes {dimension_semantics = [#tpu.dimension_semantics<core_parallel>, #tpu.dimension_semantics<subcore_parallel>], iteration_bounds = array<i64: 2, 16>, scalar_prefetch = 0 : i64, scratch_operands = 17 : i64, tpu.core_type = #tpu.core_type<sc_vector_subcore>, window_params = [{transform_indices = #map}, {transform_indices = #map}, {transform_indices = #map}, {transform_indices = #map}]} {
    %mul3A = arith.constant 2 : i32
    %mul3A_0 = arith.muli %arg1, %mul3A : i32
    %add3A = arith.addi %mul3A_0, %arg0 : i32
    %mul3A_1 = arith.constant 200 : i32
    %mul3A_2 = arith.muli %add3A, %mul3A_1 : i32
    "tpu.region"() ({
      %run_scoped3A = tpu.sem_alloc : memref<!tpu.dma_semaphore, #tpu.memory_space<semaphore_mem>>
      tpu.enqueue_dma source(%arg4 : memref<400x64xf32, #tpu.memory_space<hbm>>) target(%arg7 : memref<400x64xf32, #tpu.memory_space<vmem>>) target_semaphore(%run_scoped3A : memref<!tpu.dma_semaphore, #tpu.memory_space<semaphore_mem>>)
      tpu.wait_dma2 semaphore(%run_scoped3A : memref<!tpu.dma_semaphore, #tpu.memory_space<semaphore_mem>>) src(%arg4 : memref<400x64xf32, #tpu.memory_space<hbm>>) dst(%arg7 : memref<400x64xf32, #tpu.memory_space<vmem>>)
      tpu.yield
    }) : () -> ()
    "tpu.region"() ({
      %run_scoped3A = tpu.sem_alloc : memref<!tpu.dma_semaphore, #tpu.memory_space<semaphore_mem>>
      %dma_start3A_73 = arith.constant 0 : i32
      %dma_start3A_74 = tpu.memref_slice %arg2[%mul3A_2, %dma_start3A_73] : memref<6400x128xi32, #tpu.memory_space<hbm>> -> memref<200x128xi32, #tpu.memory_space<hbm>>
      %dma_start3A_75 = arith.constant 0 : i32
      %dma_start3A_76 = tpu.memref_slice %arg2[%mul3A_2, %dma_start3A_75] : memref<6400x128xi32, #tpu.memory_space<hbm>> -> memref<200x128xi32, #tpu.memory_space<hbm>>
      tpu.enqueue_dma source(%dma_start3A_76 : memref<200x128xi32, #tpu.memory_space<hbm>>) target(%arg6 : memref<200x128xi32, #tpu.memory_space<vmem>>) target_semaphore(%run_scoped3A : memref<!tpu.dma_semaphore, #tpu.memory_space<semaphore_mem>>)
      %dma_wait3A_77 = arith.constant 0 : i32
      %dma_wait3A_78 = tpu.memref_slice %arg2[%mul3A_2, %dma_wait3A_77] : memref<6400x128xi32, #tpu.memory_space<hbm>> -> memref<200x128xi32, #tpu.memory_space<hbm>>
      %dma_wait3A_79 = arith.constant 0 : i32
      %dma_wait3A_80 = tpu.memref_slice %arg2[%mul3A_2, %dma_wait3A_79] : memref<6400x128xi32, #tpu.memory_space<hbm>> -> memref<200x128xi32, #tpu.memory_space<hbm>>
      tpu.wait_dma2 semaphore(%run_scoped3A : memref<!tpu.dma_semaphore, #tpu.memory_space<semaphore_mem>>) src(%dma_wait3A_80 : memref<200x128xi32, #tpu.memory_space<hbm>>) dst(%arg6 : memref<200x128xi32, #tpu.memory_space<vmem>>)
      tpu.yield
    }) : () -> ()
    %dma_start3A = arith.constant 0 : i32
    %dma_start3A_3 = arith.constant 0 : i32
    %dma_start3A_4 = tpu.memref_slice %arg6[%dma_start3A, %dma_start3A_3] : memref<200x128xi32, #tpu.memory_space<vmem>> -> memref<1x128xi32, #tpu.memory_space<vmem>>
    %dma_start3A_5 = tpu.memref_squeeze %dma_start3A_4 : memref<1x128xi32, #tpu.memory_space<vmem>> -> memref<128xi32, #tpu.memory_space<vmem>>
    %dma_start3A_6 = arith.constant 0 : i32
    %dma_start3A_7 = arith.constant 0 : i32
    %dma_start3A_8 = tpu.memref_slice %arg3[%dma_start3A_6, %dma_start3A_7] : memref<100000x64xf32, #tpu.memory_space<hbm>> -> memref<100000x64xf32, #tpu.memory_space<hbm>>
    tpu.enqueue_indirect_dma source(%dma_start3A_8 : memref<100000x64xf32, #tpu.memory_space<hbm>>) target(%arg8 : memref<128x64xf32, #tpu.memory_space<vmem>>) offsets(%dma_start3A_5 : memref<128xi32, #tpu.memory_space<vmem>>) semaphore(%arg13 : memref<!tpu.dma_semaphore, #tpu.memory_space<semaphore_mem>>)
    %dma_start3A_9 = arith.constant 1 : i32
    %dma_start3A_10 = arith.constant 0 : i32
    %dma_start3A_11 = tpu.memref_slice %arg6[%dma_start3A_9, %dma_start3A_10] : memref<200x128xi32, #tpu.memory_space<vmem>> -> memref<1x128xi32, #tpu.memory_space<vmem>>
    %dma_start3A_12 = tpu.memref_squeeze %dma_start3A_11 : memref<1x128xi32, #tpu.memory_space<vmem>> -> memref<128xi32, #tpu.memory_space<vmem>>
    %dma_start3A_13 = arith.constant 0 : i32
    %dma_start3A_14 = arith.constant 0 : i32
    %dma_start3A_15 = tpu.memref_slice %arg3[%dma_start3A_13, %dma_start3A_14] : memref<100000x64xf32, #tpu.memory_space<hbm>> -> memref<100000x64xf32, #tpu.memory_space<hbm>>
    tpu.enqueue_indirect_dma source(%dma_start3A_15 : memref<100000x64xf32, #tpu.memory_space<hbm>>) target(%arg9 : memref<128x64xf32, #tpu.memory_space<vmem>>) offsets(%dma_start3A_12 : memref<128xi32, #tpu.memory_space<vmem>>) semaphore(%arg14 : memref<!tpu.dma_semaphore, #tpu.memory_space<semaphore_mem>>)
    %dma_start3A_16 = arith.constant 2 : i32
    %dma_start3A_17 = arith.constant 0 : i32
    %dma_start3A_18 = tpu.memref_slice %arg6[%dma_start3A_16, %dma_start3A_17] : memref<200x128xi32, #tpu.memory_space<vmem>> -> memref<1x128xi32, #tpu.memory_space<vmem>>
    %dma_start3A_19 = tpu.memref_squeeze %dma_start3A_18 : memref<1x128xi32, #tpu.memory_space<vmem>> -> memref<128xi32, #tpu.memory_space<vmem>>
    %dma_start3A_20 = arith.constant 0 : i32
    %dma_start3A_21 = arith.constant 0 : i32
    %dma_start3A_22 = tpu.memref_slice %arg3[%dma_start3A_20, %dma_start3A_21] : memref<100000x64xf32, #tpu.memory_space<hbm>> -> memref<100000x64xf32, #tpu.memory_space<hbm>>
    tpu.enqueue_indirect_dma source(%dma_start3A_22 : memref<100000x64xf32, #tpu.memory_space<hbm>>) target(%arg10 : memref<128x64xf32, #tpu.memory_space<vmem>>) offsets(%dma_start3A_19 : memref<128xi32, #tpu.memory_space<vmem>>) semaphore(%arg15 : memref<!tpu.dma_semaphore, #tpu.memory_space<semaphore_mem>>)
    %dma_start3A_23 = arith.constant 3 : i32
    %dma_start3A_24 = arith.constant 0 : i32
    %dma_start3A_25 = tpu.memref_slice %arg6[%dma_start3A_23, %dma_start3A_24] : memref<200x128xi32, #tpu.memory_space<vmem>> -> memref<1x128xi32, #tpu.memory_space<vmem>>
    %dma_start3A_26 = tpu.memref_squeeze %dma_start3A_25 : memref<1x128xi32, #tpu.memory_space<vmem>> -> memref<128xi32, #tpu.memory_space<vmem>>
    %dma_start3A_27 = arith.constant 0 : i32
    %dma_start3A_28 = arith.constant 0 : i32
    %dma_start3A_29 = tpu.memref_slice %arg3[%dma_start3A_27, %dma_start3A_28] : memref<100000x64xf32, #tpu.memory_space<hbm>> -> memref<100000x64xf32, #tpu.memory_space<hbm>>
    tpu.enqueue_indirect_dma source(%dma_start3A_29 : memref<100000x64xf32, #tpu.memory_space<hbm>>) target(%arg11 : memref<128x64xf32, #tpu.memory_space<vmem>>) offsets(%dma_start3A_26 : memref<128xi32, #tpu.memory_space<vmem>>) semaphore(%arg16 : memref<!tpu.dma_semaphore, #tpu.memory_space<semaphore_mem>>)
    %scan3A = arith.constant 0 : i32
    %scan3A_30 = arith.constant 40 : i32
    %scan3A_31 = arith.addi %scan3A, %scan3A_30 : i32
    %scan3A_32 = arith.constant 1 : i32
    scf.for %scan3A_73 = %scan3A to %scan3A_31 step %scan3A_32  : i32 {
      %mul3A_74 = arith.constant 5 : i32
      %mul3A_75 = arith.muli %scan3A_73, %mul3A_74 : i32
      %add3A_76 = arith.constant 0 : i32
      %add3A_77 = arith.addi %add3A_76, %mul3A_75 : i32
      %add3A_78 = arith.constant 0 : i32
      %add3A_79 = arith.addi %add3A_77, %add3A_78 : i32
      %add3A_80 = arith.constant 5 : i32
      %add3A_81 = arith.addi %add3A_79, %add3A_80 : i32
      %sub3A = arith.constant 1 : i32
      %sub3A_82 = arith.subi %add3A_81, %sub3A : i32
      %lt3A = arith.constant 200 : i32
      %lt3A_83 = arith.cmpi slt, %sub3A_82, %lt3A : i32
      %convert_element_type3A = arith.extui %lt3A_83 : i1 to i32
      %cond3A = arith.constant 0 : i32
      %cond3A_84 = arith.cmpi ne, %convert_element_type3A, %cond3A : i32
      scf.if %cond3A_84 {
        %ge3A = arith.constant 1 : i32
        %ge3A_227 = arith.cmpi sge, %add3A_79, %ge3A : i32
        %convert_element_type3A_228 = arith.extui %ge3A_227 : i1 to i32
        %cond3A_229 = arith.constant 0 : i32
        %cond3A_230 = arith.cmpi ne, %convert_element_type3A_228, %cond3A_229 : i32
        scf.if %cond3A_230 {
          %sub3A_241 = arith.constant 1 : i32
          %sub3A_242 = arith.subi %add3A_79, %sub3A_241 : i32
          %add3A_243 = arith.addi %mul3A_2, %sub3A_242 : i32
          %mul3A_244 = arith.constant 128 : i32
          %mul3A_245 = arith.muli %add3A_243, %mul3A_244 : i32
          %dma_wait3A_246 = arith.constant 0 : i32
          %dma_wait3A_247 = tpu.memref_slice %arg5[%mul3A_245, %dma_wait3A_246] : memref<819200x128xf32, #tpu.memory_space<hbm>> -> memref<128x64xf32, #tpu.memory_space<hbm>>
          %dma_wait3A_248 = arith.constant 0 : i32
          %dma_wait3A_249 = tpu.memref_slice %arg5[%mul3A_245, %dma_wait3A_248] : memref<819200x128xf32, #tpu.memory_space<hbm>> -> memref<128x64xf32, #tpu.memory_space<hbm>>
          tpu.wait_dma2 semaphore(%arg22 : memref<!tpu.dma_semaphore, #tpu.memory_space<semaphore_mem>>) src(%arg12 : memref<128x64xf32, #tpu.memory_space<vmem>>) dst(%dma_wait3A_249 : memref<128x64xf32, #tpu.memory_space<hbm>>)
        } else {
        }
        %add3A_231 = arith.constant 5 : i32
        %add3A_232 = arith.addi %add3A_79, %add3A_231 : i32
        %sub3A_233 = arith.constant 1 : i32
        %sub3A_234 = arith.subi %add3A_232, %sub3A_233 : i32
        %dma_start3A_235 = arith.constant 0 : i32
        %dma_start3A_236 = tpu.memref_slice %arg6[%sub3A_234, %dma_start3A_235] : memref<200x128xi32, #tpu.memory_space<vmem>> -> memref<1x128xi32, #tpu.memory_space<vmem>>
        %dma_start3A_237 = tpu.memref_squeeze %dma_start3A_236 : memref<1x128xi32, #tpu.memory_space<vmem>> -> memref<128xi32, #tpu.memory_space<vmem>>
        %dma_start3A_238 = arith.constant 0 : i32
        %dma_start3A_239 = arith.constant 0 : i32
        %dma_start3A_240 = tpu.memref_slice %arg3[%dma_start3A_238, %dma_start3A_239] : memref<100000x64xf32, #tpu.memory_space<hbm>> -> memref<100000x64xf32, #tpu.memory_space<hbm>>
        tpu.enqueue_indirect_dma source(%dma_start3A_240 : memref<100000x64xf32, #tpu.memory_space<hbm>>) target(%arg12 : memref<128x64xf32, #tpu.memory_space<vmem>>) offsets(%dma_start3A_237 : memref<128xi32, #tpu.memory_space<vmem>>) semaphore(%arg17 : memref<!tpu.dma_semaphore, #tpu.memory_space<semaphore_mem>>)
      } else {
      }
      %dma_wait3A_85 = arith.constant 0 : i32
      %dma_wait3A_86 = tpu.memref_slice %arg6[%add3A_79, %dma_wait3A_85] : memref<200x128xi32, #tpu.memory_space<vmem>> -> memref<1x128xi32, #tpu.memory_space<vmem>>
      %dma_wait3A_87 = tpu.memref_squeeze %dma_wait3A_86 : memref<1x128xi32, #tpu.memory_space<vmem>> -> memref<128xi32, #tpu.memory_space<vmem>>
      %dma_wait3A_88 = arith.constant 0 : i32
      %dma_wait3A_89 = arith.constant 0 : i32
      %dma_wait3A_90 = tpu.memref_slice %arg3[%dma_wait3A_88, %dma_wait3A_89] : memref<100000x64xf32, #tpu.memory_space<hbm>> -> memref<100000x64xf32, #tpu.memory_space<hbm>>
      tpu.wait_indirect_dma semaphore(%arg13 : memref<!tpu.dma_semaphore, #tpu.memory_space<semaphore_mem>>) src(%dma_wait3A_90 : memref<100000x64xf32, #tpu.memory_space<hbm>>) dst(%arg8 : memref<128x64xf32, #tpu.memory_space<vmem>>)
      %mul3A_91 = arith.constant 128 : i32
      %mul3A_92 = arith.muli %add3A_79, %mul3A_91 : i32
      %rem3A = arith.constant 200 : i32
      %rem3A_93 = arith.remsi %mul3A_92, %rem3A : i32
      %parallel_loop3A = arith.constant 0 : i32
      %parallel_loop3A_94 = arith.constant 128 : i32
      %parallel_loop3A_95 = arith.constant 1 : i32
      scf.for %parallel_loop3A_227 = %parallel_loop3A to %parallel_loop3A_94 step %parallel_loop3A_95  : i32 {
        %parallel_loop3A_228 = arith.addi %rem3A_93, %parallel_loop3A_227 : i32
        %parallel_loop3A_229 = arith.index_cast %parallel_loop3A_228 : i32 to index
        %parallel_loop3A_230 = arith.constant 0 : index
        %parallel_loop3A_231 = tpu.vector_load %arg7[%parallel_loop3A_229, %parallel_loop3A_230] {strides = array<i32>} : memref<400x64xf32, #tpu.memory_space<vmem>>, vector<1x16xf32>,
        %parallel_loop3A_232 = vector.shape_cast %parallel_loop3A_231 : vector<1x16xf32> to vector<16xf32>
        %parallel_loop3A_233 = arith.index_cast %parallel_loop3A_227 : i32 to index
        %parallel_loop3A_234 = arith.constant 0 : index
        %parallel_loop3A_235 = tpu.vector_load %arg8[%parallel_loop3A_233, %parallel_loop3A_234] {strides = array<i32>} : memref<128x64xf32, #tpu.memory_space<vmem>>, vector<1x16xf32>,
        %parallel_loop3A_236 = vector.shape_cast %parallel_loop3A_235 : vector<1x16xf32> to vector<16xf32>
        %parallel_loop3A_237 = vector.shape_cast %parallel_loop3A_232 : vector<16xf32> to vector<1x16xf32>
        tpu.vector_store %arg8[%parallel_loop3A_233, %parallel_loop3A_234], %parallel_loop3A_237 {add = true, strides = array<i32>} : memref<128x64xf32, #tpu.memory_space<vmem>>, vector<1x16xf32>,
        %parallel_loop3A_238 = arith.addi %rem3A_93, %parallel_loop3A_227 : i32
        %parallel_loop3A_239 = arith.index_cast %parallel_loop3A_238 : i32 to index
        %parallel_loop3A_240 = arith.constant 16 : index
        %parallel_loop3A_241 = tpu.vector_load %arg7[%parallel_loop3A_239, %parallel_loop3A_240] {strides = array<i32>} : memref<400x64xf32, #tpu.memory_space<vmem>>, vector<1x16xf32>,
        %parallel_loop3A_242 = vector.shape_cast %parallel_loop3A_241 : vector<1x16xf32> to vector<16xf32>
        %parallel_loop3A_243 = arith.index_cast %parallel_loop3A_227 : i32 to index
        %parallel_loop3A_244 = arith.constant 16 : index
        %parallel_loop3A_245 = tpu.vector_load %arg8[%parallel_loop3A_243, %parallel_loop3A_244] {strides = array<i32>} : memref<128x64xf32, #tpu.memory_space<vmem>>, vector<1x16xf32>,
        %parallel_loop3A_246 = vector.shape_cast %parallel_loop3A_245 : vector<1x16xf32> to vector<16xf32>
        %parallel_loop3A_247 = vector.shape_cast %parallel_loop3A_242 : vector<16xf32> to vector<1x16xf32>
        tpu.vector_store %arg8[%parallel_loop3A_243, %parallel_loop3A_244], %parallel_loop3A_247 {add = true, strides = array<i32>} : memref<128x64xf32, #tpu.memory_space<vmem>>, vector<1x16xf32>,
        %parallel_loop3A_248 = arith.addi %rem3A_93, %parallel_loop3A_227 : i32
        %parallel_loop3A_249 = arith.index_cast %parallel_loop3A_248 : i32 to index
        %parallel_loop3A_250 = arith.constant 32 : index
        %parallel_loop3A_251 = tpu.vector_load %arg7[%parallel_loop3A_249, %parallel_loop3A_250] {strides = array<i32>} : memref<400x64xf32, #tpu.memory_space<vmem>>, vector<1x16xf32>,
        %parallel_loop3A_252 = vector.shape_cast %parallel_loop3A_251 : vector<1x16xf32> to vector<16xf32>
        %parallel_loop3A_253 = arith.index_cast %parallel_loop3A_227 : i32 to index
        %parallel_loop3A_254 = arith.constant 32 : index
        %parallel_loop3A_255 = tpu.vector_load %arg8[%parallel_loop3A_253, %parallel_loop3A_254] {strides = array<i32>} : memref<128x64xf32, #tpu.memory_space<vmem>>, vector<1x16xf32>,
        %parallel_loop3A_256 = vector.shape_cast %parallel_loop3A_255 : vector<1x16xf32> to vector<16xf32>
        %parallel_loop3A_257 = vector.shape_cast %parallel_loop3A_252 : vector<16xf32> to vector<1x16xf32>
        tpu.vector_store %arg8[%parallel_loop3A_253, %parallel_loop3A_254], %parallel_loop3A_257 {add = true, strides = array<i32>} : memref<128x64xf32, #tpu.memory_space<vmem>>, vector<1x16xf32>,
        %parallel_loop3A_258 = arith.addi %rem3A_93, %parallel_loop3A_227 : i32
        %parallel_loop3A_259 = arith.index_cast %parallel_loop3A_258 : i32 to index
        %parallel_loop3A_260 = arith.constant 48 : index
        %parallel_loop3A_261 = tpu.vector_load %arg7[%parallel_loop3A_259, %parallel_loop3A_260] {strides = array<i32>} : memref<400x64xf32, #tpu.memory_space<vmem>>, vector<1x16xf32>,
        %parallel_loop3A_262 = vector.shape_cast %parallel_loop3A_261 : vector<1x16xf32> to vector<16xf32>
        %parallel_loop3A_263 = arith.index_cast %parallel_loop3A_227 : i32 to index
        %parallel_loop3A_264 = arith.constant 48 : index
        %parallel_loop3A_265 = tpu.vector_load %arg8[%parallel_loop3A_263, %parallel_loop3A_264] {strides = array<i32>} : memref<128x64xf32, #tpu.memory_space<vmem>>, vector<1x16xf32>,
        %parallel_loop3A_266 = vector.shape_cast %parallel_loop3A_265 : vector<1x16xf32> to vector<16xf32>
        %parallel_loop3A_267 = vector.shape_cast %parallel_loop3A_262 : vector<16xf32> to vector<1x16xf32>
        tpu.vector_store %arg8[%parallel_loop3A_263, %parallel_loop3A_264], %parallel_loop3A_267 {add = true, strides = array<i32>} : memref<128x64xf32, #tpu.memory_space<vmem>>, vector<1x16xf32>,
      } {sc.loop_unroll_factor = 8 : i64, sc.parallel_access}
      %add3A_96 = arith.addi %mul3A_2, %add3A_79 : i32
      %mul3A_97 = arith.constant 128 : i32
      %mul3A_98 = arith.muli %add3A_96, %mul3A_97 : i32
      %dma_start3A_99 = arith.constant 0 : i32
      %dma_start3A_100 = tpu.memref_slice %arg5[%mul3A_98, %dma_start3A_99] : memref<819200x128xf32, #tpu.memory_space<hbm>> -> memref<128x64xf32, #tpu.memory_space<hbm>>
      %dma_start3A_101 = arith.constant 0 : i32
      %dma_start3A_102 = tpu.memref_slice %arg5[%mul3A_98, %dma_start3A_101] : memref<819200x128xf32, #tpu.memory_space<hbm>> -> memref<128x64xf32, #tpu.memory_space<hbm>>
      tpu.enqueue_dma source(%arg8 : memref<128x64xf32, #tpu.memory_space<vmem>>) target(%dma_start3A_102 : memref<128x64xf32, #tpu.memory_space<hbm>>) target_semaphore(%arg18 : memref<!tpu.dma_semaphore, #tpu.memory_space<semaphore_mem>>)
      %add3A_103 = arith.constant 1 : i32
      %add3A_104 = arith.addi %add3A_77, %add3A_103 : i32
      %add3A_105 = arith.constant 5 : i32
      %add3A_106 = arith.addi %add3A_104, %add3A_105 : i32
      %sub3A_107 = arith.constant 1 : i32
      %sub3A_108 = arith.subi %add3A_106, %sub3A_107 : i32
      %lt3A_109 = arith.constant 200 : i32
      %lt3A_110 = arith.cmpi slt, %sub3A_108, %lt3A_109 : i32
      %convert_element_type3A_111 = arith.extui %lt3A_110 : i1 to i32
      %cond3A_112 = arith.constant 0 : i32
      %cond3A_113 = arith.cmpi ne, %convert_element_type3A_111, %cond3A_112 : i32
      scf.if %cond3A_113 {
        %ge3A = arith.constant 1 : i32
        %ge3A_227 = arith.cmpi sge, %add3A_104, %ge3A : i32
        %convert_element_type3A_228 = arith.extui %ge3A_227 : i1 to i32
        %cond3A_229 = arith.constant 0 : i32
        %cond3A_230 = arith.cmpi ne, %convert_element_type3A_228, %cond3A_229 : i32
        scf.if %cond3A_230 {
          %sub3A_241 = arith.constant 1 : i32
          %sub3A_242 = arith.subi %add3A_104, %sub3A_241 : i32
          %add3A_243 = arith.addi %mul3A_2, %sub3A_242 : i32
          %mul3A_244 = arith.constant 128 : i32
          %mul3A_245 = arith.muli %add3A_243, %mul3A_244 : i32
          %dma_wait3A_246 = arith.constant 0 : i32
          %dma_wait3A_247 = tpu.memref_slice %arg5[%mul3A_245, %dma_wait3A_246] : memref<819200x128xf32, #tpu.memory_space<hbm>> -> memref<128x64xf32, #tpu.memory_space<hbm>>
          %dma_wait3A_248 = arith.constant 0 : i32
          %dma_wait3A_249 = tpu.memref_slice %arg5[%mul3A_245, %dma_wait3A_248] : memref<819200x128xf32, #tpu.memory_space<hbm>> -> memref<128x64xf32, #tpu.memory_space<hbm>>
          tpu.wait_dma2 semaphore(%arg18 : memref<!tpu.dma_semaphore, #tpu.memory_space<semaphore_mem>>) src(%arg8 : memref<128x64xf32, #tpu.memory_space<vmem>>) dst(%dma_wait3A_249 : memref<128x64xf32, #tpu.memory_space<hbm>>)
        } else {
        }
        %add3A_231 = arith.constant 5 : i32
        %add3A_232 = arith.addi %add3A_104, %add3A_231 : i32
        %sub3A_233 = arith.constant 1 : i32
        %sub3A_234 = arith.subi %add3A_232, %sub3A_233 : i32
        %dma_start3A_235 = arith.constant 0 : i32
        %dma_start3A_236 = tpu.memref_slice %arg6[%sub3A_234, %dma_start3A_235] : memref<200x128xi32, #tpu.memory_space<vmem>> -> memref<1x128xi32, #tpu.memory_space<vmem>>
        %dma_start3A_237 = tpu.memref_squeeze %dma_start3A_236 : memref<1x128xi32, #tpu.memory_space<vmem>> -> memref<128xi32, #tpu.memory_space<vmem>>
        %dma_start3A_238 = arith.constant 0 : i32
        %dma_start3A_239 = arith.constant 0 : i32
        %dma_start3A_240 = tpu.memref_slice %arg3[%dma_start3A_238, %dma_start3A_239] : memref<100000x64xf32, #tpu.memory_space<hbm>> -> memref<100000x64xf32, #tpu.memory_space<hbm>>
        tpu.enqueue_indirect_dma source(%dma_start3A_240 : memref<100000x64xf32, #tpu.memory_space<hbm>>) target(%arg8 : memref<128x64xf32, #tpu.memory_space<vmem>>) offsets(%dma_start3A_237 : memref<128xi32, #tpu.memory_space<vmem>>) semaphore(%arg13 : memref<!tpu.dma_semaphore, #tpu.memory_space<semaphore_mem>>)
      } else {
      }
      %dma_wait3A_114 = arith.constant 0 : i32
      %dma_wait3A_115 = tpu.memref_slice %arg6[%add3A_104, %dma_wait3A_114] : memref<200x128xi32, #tpu.memory_space<vmem>> -> memref<1x128xi32, #tpu.memory_space<vmem>>
      %dma_wait3A_116 = tpu.memref_squeeze %dma_wait3A_115 : memref<1x128xi32, #tpu.memory_space<vmem>> -> memref<128xi32, #tpu.memory_space<vmem>>
      %dma_wait3A_117 = arith.constant 0 : i32
      %dma_wait3A_118 = arith.constant 0 : i32
      %dma_wait3A_119 = tpu.memref_slice %arg3[%dma_wait3A_117, %dma_wait3A_118] : memref<100000x64xf32, #tpu.memory_space<hbm>> -> memref<100000x64xf32, #tpu.memory_space<hbm>>
      tpu.wait_indirect_dma semaphore(%arg14 : memref<!tpu.dma_semaphore, #tpu.memory_space<semaphore_mem>>) src(%dma_wait3A_119 : memref<100000x64xf32, #tpu.memory_space<hbm>>) dst(%arg9 : memref<128x64xf32, #tpu.memory_space<vmem>>)
      %mul3A_120 = arith.constant 128 : i32
      %mul3A_121 = arith.muli %add3A_104, %mul3A_120 : i32
      %rem3A_122 = arith.constant 200 : i32
      %rem3A_123 = arith.remsi %mul3A_121, %rem3A_122 : i32
      %parallel_loop3A_124 = arith.constant 0 : i32
      %parallel_loop3A_125 = arith.constant 128 : i32
      %parallel_loop3A_126 = arith.constant 1 : i32
      scf.for %parallel_loop3A_227 = %parallel_loop3A_124 to %parallel_loop3A_125 step %parallel_loop3A_126  : i32 {
        %parallel_loop3A_228 = arith.addi %rem3A_123, %parallel_loop3A_227 : i32
        %parallel_loop3A_229 = arith.index_cast %parallel_loop3A_228 : i32 to index
        %parallel_loop3A_230 = arith.constant 0 : index
        %parallel_loop3A_231 = tpu.vector_load %arg7[%parallel_loop3A_229, %parallel_loop3A_230] {strides = array<i32>} : memref<400x64xf32, #tpu.memory_space<vmem>>, vector<1x16xf32>,
        %parallel_loop3A_232 = vector.shape_cast %parallel_loop3A_231 : vector<1x16xf32> to vector<16xf32>
        %parallel_loop3A_233 = arith.index_cast %parallel_loop3A_227 : i32 to index
        %parallel_loop3A_234 = arith.constant 0 : index
        %parallel_loop3A_235 = tpu.vector_load %arg9[%parallel_loop3A_233, %parallel_loop3A_234] {strides = array<i32>} : memref<128x64xf32, #tpu.memory_space<vmem>>, vector<1x16xf32>,
        %parallel_loop3A_236 = vector.shape_cast %parallel_loop3A_235 : vector<1x16xf32> to vector<16xf32>
        %parallel_loop3A_237 = vector.shape_cast %parallel_loop3A_232 : vector<16xf32> to vector<1x16xf32>
        tpu.vector_store %arg9[%parallel_loop3A_233, %parallel_loop3A_234], %parallel_loop3A_237 {add = true, strides = array<i32>} : memref<128x64xf32, #tpu.memory_space<vmem>>, vector<1x16xf32>,
        %parallel_loop3A_238 = arith.addi %rem3A_123, %parallel_loop3A_227 : i32
        %parallel_loop3A_239 = arith.index_cast %parallel_loop3A_238 : i32 to index
        %parallel_loop3A_240 = arith.constant 16 : index
        %parallel_loop3A_241 = tpu.vector_load %arg7[%parallel_loop3A_239, %parallel_loop3A_240] {strides = array<i32>} : memref<400x64xf32, #tpu.memory_space<vmem>>, vector<1x16xf32>,
        %parallel_loop3A_242 = vector.shape_cast %parallel_loop3A_241 : vector<1x16xf32> to vector<16xf32>
        %parallel_loop3A_243 = arith.index_cast %parallel_loop3A_227 : i32 to index
        %parallel_loop3A_244 = arith.constant 16 : index
        %parallel_loop3A_245 = tpu.vector_load %arg9[%parallel_loop3A_243, %parallel_loop3A_244] {strides = array<i32>} : memref<128x64xf32, #tpu.memory_space<vmem>>, vector<1x16xf32>,
        %parallel_loop3A_246 = vector.shape_cast %parallel_loop3A_245 : vector<1x16xf32> to vector<16xf32>
        %parallel_loop3A_247 = vector.shape_cast %parallel_loop3A_242 : vector<16xf32> to vector<1x16xf32>
        tpu.vector_store %arg9[%parallel_loop3A_243, %parallel_loop3A_244], %parallel_loop3A_247 {add = true, strides = array<i32>} : memref<128x64xf32, #tpu.memory_space<vmem>>, vector<1x16xf32>,
        %parallel_loop3A_248 = arith.addi %rem3A_123, %parallel_loop3A_227 : i32
        %parallel_loop3A_249 = arith.index_cast %parallel_loop3A_248 : i32 to index
        %parallel_loop3A_250 = arith.constant 32 : index
        %parallel_loop3A_251 = tpu.vector_load %arg7[%parallel_loop3A_249, %parallel_loop3A_250] {strides = array<i32>} : memref<400x64xf32, #tpu.memory_space<vmem>>, vector<1x16xf32>,
        %parallel_loop3A_252 = vector.shape_cast %parallel_loop3A_251 : vector<1x16xf32> to vector<16xf32>
        %parallel_loop3A_253 = arith.index_cast %parallel_loop3A_227 : i32 to index
        %parallel_loop3A_254 = arith.constant 32 : index
        %parallel_loop3A_255 = tpu.vector_load %arg9[%parallel_loop3A_253, %parallel_loop3A_254] {strides = array<i32>} : memref<128x64xf32, #tpu.memory_space<vmem>>, vector<1x16xf32>,
        %parallel_loop3A_256 = vector.shape_cast %parallel_loop3A_255 : vector<1x16xf32> to vector<16xf32>
        %parallel_loop3A_257 = vector.shape_cast %parallel_loop3A_252 : vector<16xf32> to vector<1x16xf32>
        tpu.vector_store %arg9[%parallel_loop3A_253, %parallel_loop3A_254], %parallel_loop3A_257 {add = true, strides = array<i32>} : memref<128x64xf32, #tpu.memory_space<vmem>>, vector<1x16xf32>,
        %parallel_loop3A_258 = arith.addi %rem3A_123, %parallel_loop3A_227 : i32
        %parallel_loop3A_259 = arith.index_cast %parallel_loop3A_258 : i32 to index
        %parallel_loop3A_260 = arith.constant 48 : index
        %parallel_loop3A_261 = tpu.vector_load %arg7[%parallel_loop3A_259, %parallel_loop3A_260] {strides = array<i32>} : memref<400x64xf32, #tpu.memory_space<vmem>>, vector<1x16xf32>,
        %parallel_loop3A_262 = vector.shape_cast %parallel_loop3A_261 : vector<1x16xf32> to vector<16xf32>
        %parallel_loop3A_263 = arith.index_cast %parallel_loop3A_227 : i32 to index
        %parallel_loop3A_264 = arith.constant 48 : index
        %parallel_loop3A_265 = tpu.vector_load %arg9[%parallel_loop3A_263, %parallel_loop3A_264] {strides = array<i32>} : memref<128x64xf32, #tpu.memory_space<vmem>>, vector<1x16xf32>,
        %parallel_loop3A_266 = vector.shape_cast %parallel_loop3A_265 : vector<1x16xf32> to vector<16xf32>
        %parallel_loop3A_267 = vector.shape_cast %parallel_loop3A_262 : vector<16xf32> to vector<1x16xf32>
        tpu.vector_store %arg9[%parallel_loop3A_263, %parallel_loop3A_264], %parallel_loop3A_267 {add = true, strides = array<i32>} : memref<128x64xf32, #tpu.memory_space<vmem>>, vector<1x16xf32>,
      } {sc.loop_unroll_factor = 8 : i64, sc.parallel_access}
      %add3A_127 = arith.addi %mul3A_2, %add3A_104 : i32
      %mul3A_128 = arith.constant 128 : i32
      %mul3A_129 = arith.muli %add3A_127, %mul3A_128 : i32
      %dma_start3A_130 = arith.constant 0 : i32
      %dma_start3A_131 = tpu.memref_slice %arg5[%mul3A_129, %dma_start3A_130] : memref<819200x128xf32, #tpu.memory_space<hbm>> -> memref<128x64xf32, #tpu.memory_space<hbm>>
      %dma_start3A_132 = arith.constant 0 : i32
      %dma_start3A_133 = tpu.memref_slice %arg5[%mul3A_129, %dma_start3A_132] : memref<819200x128xf32, #tpu.memory_space<hbm>> -> memref<128x64xf32, #tpu.memory_space<hbm>>
      tpu.enqueue_dma source(%arg9 : memref<128x64xf32, #tpu.memory_space<vmem>>) target(%dma_start3A_133 : memref<128x64xf32, #tpu.memory_space<hbm>>) target_semaphore(%arg19 : memref<!tpu.dma_semaphore, #tpu.memory_space<semaphore_mem>>)
      %add3A_134 = arith.constant 2 : i32
      %add3A_135 = arith.addi %add3A_77, %add3A_134 : i32
      %add3A_136 = arith.constant 5 : i32
      %add3A_137 = arith.addi %add3A_135, %add3A_136 : i32
      %sub3A_138 = arith.constant 1 : i32
      %sub3A_139 = arith.subi %add3A_137, %sub3A_138 : i32
      %lt3A_140 = arith.constant 200 : i32
      %lt3A_141 = arith.cmpi slt, %sub3A_139, %lt3A_140 : i32
      %convert_element_type3A_142 = arith.extui %lt3A_141 : i1 to i32
      %cond3A_143 = arith.constant 0 : i32
      %cond3A_144 = arith.cmpi ne, %convert_element_type3A_142, %cond3A_143 : i32
      scf.if %cond3A_144 {
        %ge3A = arith.constant 1 : i32
        %ge3A_227 = arith.cmpi sge, %add3A_135, %ge3A : i32
        %convert_element_type3A_228 = arith.extui %ge3A_227 : i1 to i32
        %cond3A_229 = arith.constant 0 : i32
        %cond3A_230 = arith.cmpi ne, %convert_element_type3A_228, %cond3A_229 : i32
        scf.if %cond3A_230 {
          %sub3A_241 = arith.constant 1 : i32
          %sub3A_242 = arith.subi %add3A_135, %sub3A_241 : i32
          %add3A_243 = arith.addi %mul3A_2, %sub3A_242 : i32
          %mul3A_244 = arith.constant 128 : i32
          %mul3A_245 = arith.muli %add3A_243, %mul3A_244 : i32
          %dma_wait3A_246 = arith.constant 0 : i32
          %dma_wait3A_247 = tpu.memref_slice %arg5[%mul3A_245, %dma_wait3A_246] : memref<819200x128xf32, #tpu.memory_space<hbm>> -> memref<128x64xf32, #tpu.memory_space<hbm>>
          %dma_wait3A_248 = arith.constant 0 : i32
          %dma_wait3A_249 = tpu.memref_slice %arg5[%mul3A_245, %dma_wait3A_248] : memref<819200x128xf32, #tpu.memory_space<hbm>> -> memref<128x64xf32, #tpu.memory_space<hbm>>
          tpu.wait_dma2 semaphore(%arg19 : memref<!tpu.dma_semaphore, #tpu.memory_space<semaphore_mem>>) src(%arg9 : memref<128x64xf32, #tpu.memory_space<vmem>>) dst(%dma_wait3A_249 : memref<128x64xf32, #tpu.memory_space<hbm>>)
        } else {
        }
        %add3A_231 = arith.constant 5 : i32
        %add3A_232 = arith.addi %add3A_135, %add3A_231 : i32
        %sub3A_233 = arith.constant 1 : i32
        %sub3A_234 = arith.subi %add3A_232, %sub3A_233 : i32
        %dma_start3A_235 = arith.constant 0 : i32
        %dma_start3A_236 = tpu.memref_slice %arg6[%sub3A_234, %dma_start3A_235] : memref<200x128xi32, #tpu.memory_space<vmem>> -> memref<1x128xi32, #tpu.memory_space<vmem>>
        %dma_start3A_237 = tpu.memref_squeeze %dma_start3A_236 : memref<1x128xi32, #tpu.memory_space<vmem>> -> memref<128xi32, #tpu.memory_space<vmem>>
        %dma_start3A_238 = arith.constant 0 : i32
        %dma_start3A_239 = arith.constant 0 : i32
        %dma_start3A_240 = tpu.memref_slice %arg3[%dma_start3A_238, %dma_start3A_239] : memref<100000x64xf32, #tpu.memory_space<hbm>> -> memref<100000x64xf32, #tpu.memory_space<hbm>>
        tpu.enqueue_indirect_dma source(%dma_start3A_240 : memref<100000x64xf32, #tpu.memory_space<hbm>>) target(%arg9 : memref<128x64xf32, #tpu.memory_space<vmem>>) offsets(%dma_start3A_237 : memref<128xi32, #tpu.memory_space<vmem>>) semaphore(%arg14 : memref<!tpu.dma_semaphore, #tpu.memory_space<semaphore_mem>>)
      } else {
      }
      %dma_wait3A_145 = arith.constant 0 : i32
      %dma_wait3A_146 = tpu.memref_slice %arg6[%add3A_135, %dma_wait3A_145] : memref<200x128xi32, #tpu.memory_space<vmem>> -> memref<1x128xi32, #tpu.memory_space<vmem>>
      %dma_wait3A_147 = tpu.memref_squeeze %dma_wait3A_146 : memref<1x128xi32, #tpu.memory_space<vmem>> -> memref<128xi32, #tpu.memory_space<vmem>>
      %dma_wait3A_148 = arith.constant 0 : i32
      %dma_wait3A_149 = arith.constant 0 : i32
      %dma_wait3A_150 = tpu.memref_slice %arg3[%dma_wait3A_148, %dma_wait3A_149] : memref<100000x64xf32, #tpu.memory_space<hbm>> -> memref<100000x64xf32, #tpu.memory_space<hbm>>
      tpu.wait_indirect_dma semaphore(%arg15 : memref<!tpu.dma_semaphore, #tpu.memory_space<semaphore_mem>>) src(%dma_wait3A_150 : memref<100000x64xf32, #tpu.memory_space<hbm>>) dst(%arg10 : memref<128x64xf32, #tpu.memory_space<vmem>>)
      %mul3A_151 = arith.constant 128 : i32
      %mul3A_152 = arith.muli %add3A_135, %mul3A_151 : i32
      %rem3A_153 = arith.constant 200 : i32
      %rem3A_154 = arith.remsi %mul3A_152, %rem3A_153 : i32
      %parallel_loop3A_155 = arith.constant 0 : i32
      %parallel_loop3A_156 = arith.constant 128 : i32
      %parallel_loop3A_157 = arith.constant 1 : i32
      scf.for %parallel_loop3A_227 = %parallel_loop3A_155 to %parallel_loop3A_156 step %parallel_loop3A_157  : i32 {
        %parallel_loop3A_228 = arith.addi %rem3A_154, %parallel_loop3A_227 : i32
        %parallel_loop3A_229 = arith.index_cast %parallel_loop3A_228 : i32 to index
        %parallel_loop3A_230 = arith.constant 0 : index
        %parallel_loop3A_231 = tpu.vector_load %arg7[%parallel_loop3A_229, %parallel_loop3A_230] {strides = array<i32>} : memref<400x64xf32, #tpu.memory_space<vmem>>, vector<1x16xf32>,
        %parallel_loop3A_232 = vector.shape_cast %parallel_loop3A_231 : vector<1x16xf32> to vector<16xf32>
        %parallel_loop3A_233 = arith.index_cast %parallel_loop3A_227 : i32 to index
        %parallel_loop3A_234 = arith.constant 0 : index
        %parallel_loop3A_235 = tpu.vector_load %arg10[%parallel_loop3A_233, %parallel_loop3A_234] {strides = array<i32>} : memref<128x64xf32, #tpu.memory_space<vmem>>, vector<1x16xf32>,
        %parallel_loop3A_236 = vector.shape_cast %parallel_loop3A_235 : vector<1x16xf32> to vector<16xf32>
        %parallel_loop3A_237 = vector.shape_cast %parallel_loop3A_232 : vector<16xf32> to vector<1x16xf32>
        tpu.vector_store %arg10[%parallel_loop3A_233, %parallel_loop3A_234], %parallel_loop3A_237 {add = true, strides = array<i32>} : memref<128x64xf32, #tpu.memory_space<vmem>>, vector<1x16xf32>,
        %parallel_loop3A_238 = arith.addi %rem3A_154, %parallel_loop3A_227 : i32
        %parallel_loop3A_239 = arith.index_cast %parallel_loop3A_238 : i32 to index
        %parallel_loop3A_240 = arith.constant 16 : index
        %parallel_loop3A_241 = tpu.vector_load %arg7[%parallel_loop3A_239, %parallel_loop3A_240] {strides = array<i32>} : memref<400x64xf32, #tpu.memory_space<vmem>>, vector<1x16xf32>,
        %parallel_loop3A_242 = vector.shape_cast %parallel_loop3A_241 : vector<1x16xf32> to vector<16xf32>
        %parallel_loop3A_243 = arith.index_cast %parallel_loop3A_227 : i32 to index
        %parallel_loop3A_244 = arith.constant 16 : index
        %parallel_loop3A_245 = tpu.vector_load %arg10[%parallel_loop3A_243, %parallel_loop3A_244] {strides = array<i32>} : memref<128x64xf32, #tpu.memory_space<vmem>>, vector<1x16xf32>,
        %parallel_loop3A_246 = vector.shape_cast %parallel_loop3A_245 : vector<1x16xf32> to vector<16xf32>
        %parallel_loop3A_247 = vector.shape_cast %parallel_loop3A_242 : vector<16xf32> to vector<1x16xf32>
        tpu.vector_store %arg10[%parallel_loop3A_243, %parallel_loop3A_244], %parallel_loop3A_247 {add = true, strides = array<i32>} : memref<128x64xf32, #tpu.memory_space<vmem>>, vector<1x16xf32>,
        %parallel_loop3A_248 = arith.addi %rem3A_154, %parallel_loop3A_227 : i32
        %parallel_loop3A_249 = arith.index_cast %parallel_loop3A_248 : i32 to index
        %parallel_loop3A_250 = arith.constant 32 : index
        %parallel_loop3A_251 = tpu.vector_load %arg7[%parallel_loop3A_249, %parallel_loop3A_250] {strides = array<i32>} : memref<400x64xf32, #tpu.memory_space<vmem>>, vector<1x16xf32>,
        %parallel_loop3A_252 = vector.shape_cast %parallel_loop3A_251 : vector<1x16xf32> to vector<16xf32>
        %parallel_loop3A_253 = arith.index_cast %parallel_loop3A_227 : i32 to index
        %parallel_loop3A_254 = arith.constant 32 : index
        %parallel_loop3A_255 = tpu.vector_load %arg10[%parallel_loop3A_253, %parallel_loop3A_254] {strides = array<i32>} : memref<128x64xf32, #tpu.memory_space<vmem>>, vector<1x16xf32>,
        %parallel_loop3A_256 = vector.shape_cast %parallel_loop3A_255 : vector<1x16xf32> to vector<16xf32>
        %parallel_loop3A_257 = vector.shape_cast %parallel_loop3A_252 : vector<16xf32> to vector<1x16xf32>
        tpu.vector_store %arg10[%parallel_loop3A_253, %parallel_loop3A_254], %parallel_loop3A_257 {add = true, strides = array<i32>} : memref<128x64xf32, #tpu.memory_space<vmem>>, vector<1x16xf32>,
        %parallel_loop3A_258 = arith.addi %rem3A_154, %parallel_loop3A_227 : i32
        %parallel_loop3A_259 = arith.index_cast %parallel_loop3A_258 : i32 to index
        %parallel_loop3A_260 = arith.constant 48 : index
        %parallel_loop3A_261 = tpu.vector_load %arg7[%parallel_loop3A_259, %parallel_loop3A_260] {strides = array<i32>} : memref<400x64xf32, #tpu.memory_space<vmem>>, vector<1x16xf32>,
        %parallel_loop3A_262 = vector.shape_cast %parallel_loop3A_261 : vector<1x16xf32> to vector<16xf32>
        %parallel_loop3A_263 = arith.index_cast %parallel_loop3A_227 : i32 to index
        %parallel_loop3A_264 = arith.constant 48 : index
        %parallel_loop3A_265 = tpu.vector_load %arg10[%parallel_loop3A_263, %parallel_loop3A_264] {strides = array<i32>} : memref<128x64xf32, #tpu.memory_space<vmem>>, vector<1x16xf32>,
        %parallel_loop3A_266 = vector.shape_cast %parallel_loop3A_265 : vector<1x16xf32> to vector<16xf32>
        %parallel_loop3A_267 = vector.shape_cast %parallel_loop3A_262 : vector<16xf32> to vector<1x16xf32>
        tpu.vector_store %arg10[%parallel_loop3A_263, %parallel_loop3A_264], %parallel_loop3A_267 {add = true, strides = array<i32>} : memref<128x64xf32, #tpu.memory_space<vmem>>, vector<1x16xf32>,
      } {sc.loop_unroll_factor = 8 : i64, sc.parallel_access}
      %add3A_158 = arith.addi %mul3A_2, %add3A_135 : i32
      %mul3A_159 = arith.constant 128 : i32
      %mul3A_160 = arith.muli %add3A_158, %mul3A_159 : i32
      %dma_start3A_161 = arith.constant 0 : i32
      %dma_start3A_162 = tpu.memref_slice %arg5[%mul3A_160, %dma_start3A_161] : memref<819200x128xf32, #tpu.memory_space<hbm>> -> memref<128x64xf32, #tpu.memory_space<hbm>>
      %dma_start3A_163 = arith.constant 0 : i32
      %dma_start3A_164 = tpu.memref_slice %arg5[%mul3A_160, %dma_start3A_163] : memref<819200x128xf32, #tpu.memory_space<hbm>> -> memref<128x64xf32, #tpu.memory_space<hbm>>
      tpu.enqueue_dma source(%arg10 : memref<128x64xf32, #tpu.memory_space<vmem>>) target(%dma_start3A_164 : memref<128x64xf32, #tpu.memory_space<hbm>>) target_semaphore(%arg20 : memref<!tpu.dma_semaphore, #tpu.memory_space<semaphore_mem>>)
      %add3A_165 = arith.constant 3 : i32
      %add3A_166 = arith.addi %add3A_77, %add3A_165 : i32
      %add3A_167 = arith.constant 5 : i32
      %add3A_168 = arith.addi %add3A_166, %add3A_167 : i32
      %sub3A_169 = arith.constant 1 : i32
      %sub3A_170 = arith.subi %add3A_168, %sub3A_169 : i32
      %lt3A_171 = arith.constant 200 : i32
      %lt3A_172 = arith.cmpi slt, %sub3A_170, %lt3A_171 : i32
      %convert_element_type3A_173 = arith.extui %lt3A_172 : i1 to i32
      %cond3A_174 = arith.constant 0 : i32
      %cond3A_175 = arith.cmpi ne, %convert_element_type3A_173, %cond3A_174 : i32
      scf.if %cond3A_175 {
        %ge3A = arith.constant 1 : i32
        %ge3A_227 = arith.cmpi sge, %add3A_166, %ge3A : i32
        %convert_element_type3A_228 = arith.extui %ge3A_227 : i1 to i32
        %cond3A_229 = arith.constant 0 : i32
        %cond3A_230 = arith.cmpi ne, %convert_element_type3A_228, %cond3A_229 : i32
        scf.if %cond3A_230 {
          %sub3A_241 = arith.constant 1 : i32
          %sub3A_242 = arith.subi %add3A_166, %sub3A_241 : i32
          %add3A_243 = arith.addi %mul3A_2, %sub3A_242 : i32
          %mul3A_244 = arith.constant 128 : i32
          %mul3A_245 = arith.muli %add3A_243, %mul3A_244 : i32
          %dma_wait3A_246 = arith.constant 0 : i32
          %dma_wait3A_247 = tpu.memref_slice %arg5[%mul3A_245, %dma_wait3A_246] : memref<819200x128xf32, #tpu.memory_space<hbm>> -> memref<128x64xf32, #tpu.memory_space<hbm>>
          %dma_wait3A_248 = arith.constant 0 : i32
          %dma_wait3A_249 = tpu.memref_slice %arg5[%mul3A_245, %dma_wait3A_248] : memref<819200x128xf32, #tpu.memory_space<hbm>> -> memref<128x64xf32, #tpu.memory_space<hbm>>
          tpu.wait_dma2 semaphore(%arg20 : memref<!tpu.dma_semaphore, #tpu.memory_space<semaphore_mem>>) src(%arg10 : memref<128x64xf32, #tpu.memory_space<vmem>>) dst(%dma_wait3A_249 : memref<128x64xf32, #tpu.memory_space<hbm>>)
        } else {
        }
        %add3A_231 = arith.constant 5 : i32
        %add3A_232 = arith.addi %add3A_166, %add3A_231 : i32
        %sub3A_233 = arith.constant 1 : i32
        %sub3A_234 = arith.subi %add3A_232, %sub3A_233 : i32
        %dma_start3A_235 = arith.constant 0 : i32
        %dma_start3A_236 = tpu.memref_slice %arg6[%sub3A_234, %dma_start3A_235] : memref<200x128xi32, #tpu.memory_space<vmem>> -> memref<1x128xi32, #tpu.memory_space<vmem>>
        %dma_start3A_237 = tpu.memref_squeeze %dma_start3A_236 : memref<1x128xi32, #tpu.memory_space<vmem>> -> memref<128xi32, #tpu.memory_space<vmem>>
        %dma_start3A_238 = arith.constant 0 : i32
        %dma_start3A_239 = arith.constant 0 : i32
        %dma_start3A_240 = tpu.memref_slice %arg3[%dma_start3A_238, %dma_start3A_239] : memref<100000x64xf32, #tpu.memory_space<hbm>> -> memref<100000x64xf32, #tpu.memory_space<hbm>>
        tpu.enqueue_indirect_dma source(%dma_start3A_240 : memref<100000x64xf32, #tpu.memory_space<hbm>>) target(%arg10 : memref<128x64xf32, #tpu.memory_space<vmem>>) offsets(%dma_start3A_237 : memref<128xi32, #tpu.memory_space<vmem>>) semaphore(%arg15 : memref<!tpu.dma_semaphore, #tpu.memory_space<semaphore_mem>>)
      } else {
      }
      %dma_wait3A_176 = arith.constant 0 : i32
      %dma_wait3A_177 = tpu.memref_slice %arg6[%add3A_166, %dma_wait3A_176] : memref<200x128xi32, #tpu.memory_space<vmem>> -> memref<1x128xi32, #tpu.memory_space<vmem>>
      %dma_wait3A_178 = tpu.memref_squeeze %dma_wait3A_177 : memref<1x128xi32, #tpu.memory_space<vmem>> -> memref<128xi32, #tpu.memory_space<vmem>>
      %dma_wait3A_179 = arith.constant 0 : i32
      %dma_wait3A_180 = arith.constant 0 : i32
      %dma_wait3A_181 = tpu.memref_slice %arg3[%dma_wait3A_179, %dma_wait3A_180] : memref<100000x64xf32, #tpu.memory_space<hbm>> -> memref<100000x64xf32, #tpu.memory_space<hbm>>
      tpu.wait_indirect_dma semaphore(%arg16 : memref<!tpu.dma_semaphore, #tpu.memory_space<semaphore_mem>>) src(%dma_wait3A_181 : memref<100000x64xf32, #tpu.memory_space<hbm>>) dst(%arg11 : memref<128x64xf32, #tpu.memory_space<vmem>>)
      %mul3A_182 = arith.constant 128 : i32
      %mul3A_183 = arith.muli %add3A_166, %mul3A_182 : i32
      %rem3A_184 = arith.constant 200 : i32
      %rem3A_185 = arith.remsi %mul3A_183, %rem3A_184 : i32
      %parallel_loop3A_186 = arith.constant 0 : i32
      %parallel_loop3A_187 = arith.constant 128 : i32
      %parallel_loop3A_188 = arith.constant 1 : i32
      scf.for %parallel_loop3A_227 = %parallel_loop3A_186 to %parallel_loop3A_187 step %parallel_loop3A_188  : i32 {
        %parallel_loop3A_228 = arith.addi %rem3A_185, %parallel_loop3A_227 : i32
        %parallel_loop3A_229 = arith.index_cast %parallel_loop3A_228 : i32 to index
        %parallel_loop3A_230 = arith.constant 0 : index
        %parallel_loop3A_231 = tpu.vector_load %arg7[%parallel_loop3A_229, %parallel_loop3A_230] {strides = array<i32>} : memref<400x64xf32, #tpu.memory_space<vmem>>, vector<1x16xf32>,
        %parallel_loop3A_232 = vector.shape_cast %parallel_loop3A_231 : vector<1x16xf32> to vector<16xf32>
        %parallel_loop3A_233 = arith.index_cast %parallel_loop3A_227 : i32 to index
        %parallel_loop3A_234 = arith.constant 0 : index
        %parallel_loop3A_235 = tpu.vector_load %arg11[%parallel_loop3A_233, %parallel_loop3A_234] {strides = array<i32>} : memref<128x64xf32, #tpu.memory_space<vmem>>, vector<1x16xf32>,
        %parallel_loop3A_236 = vector.shape_cast %parallel_loop3A_235 : vector<1x16xf32> to vector<16xf32>
        %parallel_loop3A_237 = vector.shape_cast %parallel_loop3A_232 : vector<16xf32> to vector<1x16xf32>
        tpu.vector_store %arg11[%parallel_loop3A_233, %parallel_loop3A_234], %parallel_loop3A_237 {add = true, strides = array<i32>} : memref<128x64xf32, #tpu.memory_space<vmem>>, vector<1x16xf32>,
        %parallel_loop3A_238 = arith.addi %rem3A_185, %parallel_loop3A_227 : i32
        %parallel_loop3A_239 = arith.index_cast %parallel_loop3A_238 : i32 to index
        %parallel_loop3A_240 = arith.constant 16 : index
        %parallel_loop3A_241 = tpu.vector_load %arg7[%parallel_loop3A_239, %parallel_loop3A_240] {strides = array<i32>} : memref<400x64xf32, #tpu.memory_space<vmem>>, vector<1x16xf32>,
        %parallel_loop3A_242 = vector.shape_cast %parallel_loop3A_241 : vector<1x16xf32> to vector<16xf32>
        %parallel_loop3A_243 = arith.index_cast %parallel_loop3A_227 : i32 to index
        %parallel_loop3A_244 = arith.constant 16 : index
        %parallel_loop3A_245 = tpu.vector_load %arg11[%parallel_loop3A_243, %parallel_loop3A_244] {strides = array<i32>} : memref<128x64xf32, #tpu.memory_space<vmem>>, vector<1x16xf32>,
        %parallel_loop3A_246 = vector.shape_cast %parallel_loop3A_245 : vector<1x16xf32> to vector<16xf32>
        %parallel_loop3A_247 = vector.shape_cast %parallel_loop3A_242 : vector<16xf32> to vector<1x16xf32>
        tpu.vector_store %arg11[%parallel_loop3A_243, %parallel_loop3A_244], %parallel_loop3A_247 {add = true, strides = array<i32>} : memref<128x64xf32, #tpu.memory_space<vmem>>, vector<1x16xf32>,
        %parallel_loop3A_248 = arith.addi %rem3A_185, %parallel_loop3A_227 : i32
        %parallel_loop3A_249 = arith.index_cast %parallel_loop3A_248 : i32 to index
        %parallel_loop3A_250 = arith.constant 32 : index
        %parallel_loop3A_251 = tpu.vector_load %arg7[%parallel_loop3A_249, %parallel_loop3A_250] {strides = array<i32>} : memref<400x64xf32, #tpu.memory_space<vmem>>, vector<1x16xf32>,
        %parallel_loop3A_252 = vector.shape_cast %parallel_loop3A_251 : vector<1x16xf32> to vector<16xf32>
        %parallel_loop3A_253 = arith.index_cast %parallel_loop3A_227 : i32 to index
        %parallel_loop3A_254 = arith.constant 32 : index
        %parallel_loop3A_255 = tpu.vector_load %arg11[%parallel_loop3A_253, %parallel_loop3A_254] {strides = array<i32>} : memref<128x64xf32, #tpu.memory_space<vmem>>, vector<1x16xf32>,
        %parallel_loop3A_256 = vector.shape_cast %parallel_loop3A_255 : vector<1x16xf32> to vector<16xf32>
        %parallel_loop3A_257 = vector.shape_cast %parallel_loop3A_252 : vector<16xf32> to vector<1x16xf32>
        tpu.vector_store %arg11[%parallel_loop3A_253, %parallel_loop3A_254], %parallel_loop3A_257 {add = true, strides = array<i32>} : memref<128x64xf32, #tpu.memory_space<vmem>>, vector<1x16xf32>,
        %parallel_loop3A_258 = arith.addi %rem3A_185, %parallel_loop3A_227 : i32
        %parallel_loop3A_259 = arith.index_cast %parallel_loop3A_258 : i32 to index
        %parallel_loop3A_260 = arith.constant 48 : index
        %parallel_loop3A_261 = tpu.vector_load %arg7[%parallel_loop3A_259, %parallel_loop3A_260] {strides = array<i32>} : memref<400x64xf32, #tpu.memory_space<vmem>>, vector<1x16xf32>,
        %parallel_loop3A_262 = vector.shape_cast %parallel_loop3A_261 : vector<1x16xf32> to vector<16xf32>
        %parallel_loop3A_263 = arith.index_cast %parallel_loop3A_227 : i32 to index
        %parallel_loop3A_264 = arith.constant 48 : index
        %parallel_loop3A_265 = tpu.vector_load %arg11[%parallel_loop3A_263, %parallel_loop3A_264] {strides = array<i32>} : memref<128x64xf32, #tpu.memory_space<vmem>>, vector<1x16xf32>,
        %parallel_loop3A_266 = vector.shape_cast %parallel_loop3A_265 : vector<1x16xf32> to vector<16xf32>
        %parallel_loop3A_267 = vector.shape_cast %parallel_loop3A_262 : vector<16xf32> to vector<1x16xf32>
        tpu.vector_store %arg11[%parallel_loop3A_263, %parallel_loop3A_264], %parallel_loop3A_267 {add = true, strides = array<i32>} : memref<128x64xf32, #tpu.memory_space<vmem>>, vector<1x16xf32>,
      } {sc.loop_unroll_factor = 8 : i64, sc.parallel_access}
      %add3A_189 = arith.addi %mul3A_2, %add3A_166 : i32
      %mul3A_190 = arith.constant 128 : i32
      %mul3A_191 = arith.muli %add3A_189, %mul3A_190 : i32
      %dma_start3A_192 = arith.constant 0 : i32
      %dma_start3A_193 = tpu.memref_slice %arg5[%mul3A_191, %dma_start3A_192] : memref<819200x128xf32, #tpu.memory_space<hbm>> -> memref<128x64xf32, #tpu.memory_space<hbm>>
      %dma_start3A_194 = arith.constant 0 : i32
      %dma_start3A_195 = tpu.memref_slice %arg5[%mul3A_191, %dma_start3A_194] : memref<819200x128xf32, #tpu.memory_space<hbm>> -> memref<128x64xf32, #tpu.memory_space<hbm>>
      tpu.enqueue_dma source(%arg11 : memref<128x64xf32, #tpu.memory_space<vmem>>) target(%dma_start3A_195 : memref<128x64xf32, #tpu.memory_space<hbm>>) target_semaphore(%arg21 : memref<!tpu.dma_semaphore, #tpu.memory_space<semaphore_mem>>)
      %add3A_196 = arith.constant 4 : i32
      %add3A_197 = arith.addi %add3A_77, %add3A_196 : i32
      %add3A_198 = arith.constant 5 : i32
      %add3A_199 = arith.addi %add3A_197, %add3A_198 : i32
      %sub3A_200 = arith.constant 1 : i32
      %sub3A_201 = arith.subi %add3A_199, %sub3A_200 : i32
      %lt3A_202 = arith.constant 200 : i32
      %lt3A_203 = arith.cmpi slt, %sub3A_201, %lt3A_202 : i32
      %convert_element_type3A_204 = arith.extui %lt3A_203 : i1 to i32
      %cond3A_205 = arith.constant 0 : i32
      %cond3A_206 = arith.cmpi ne, %convert_element_type3A_204, %cond3A_205 : i32
      scf.if %cond3A_206 {
        %ge3A = arith.constant 1 : i32
        %ge3A_227 = arith.cmpi sge, %add3A_197, %ge3A : i32
        %convert_element_type3A_228 = arith.extui %ge3A_227 : i1 to i32
        %cond3A_229 = arith.constant 0 : i32
        %cond3A_230 = arith.cmpi ne, %convert_element_type3A_228, %cond3A_229 : i32
        scf.if %cond3A_230 {
          %sub3A_241 = arith.constant 1 : i32
          %sub3A_242 = arith.subi %add3A_197, %sub3A_241 : i32
          %add3A_243 = arith.addi %mul3A_2, %sub3A_242 : i32
          %mul3A_244 = arith.constant 128 : i32
          %mul3A_245 = arith.muli %add3A_243, %mul3A_244 : i32
          %dma_wait3A_246 = arith.constant 0 : i32
          %dma_wait3A_247 = tpu.memref_slice %arg5[%mul3A_245, %dma_wait3A_246] : memref<819200x128xf32, #tpu.memory_space<hbm>> -> memref<128x64xf32, #tpu.memory_space<hbm>>
          %dma_wait3A_248 = arith.constant 0 : i32
          %dma_wait3A_249 = tpu.memref_slice %arg5[%mul3A_245, %dma_wait3A_248] : memref<819200x128xf32, #tpu.memory_space<hbm>> -> memref<128x64xf32, #tpu.memory_space<hbm>>
          tpu.wait_dma2 semaphore(%arg21 : memref<!tpu.dma_semaphore, #tpu.memory_space<semaphore_mem>>) src(%arg11 : memref<128x64xf32, #tpu.memory_space<vmem>>) dst(%dma_wait3A_249 : memref<128x64xf32, #tpu.memory_space<hbm>>)
        } else {
        }
        %add3A_231 = arith.constant 5 : i32
        %add3A_232 = arith.addi %add3A_197, %add3A_231 : i32
        %sub3A_233 = arith.constant 1 : i32
        %sub3A_234 = arith.subi %add3A_232, %sub3A_233 : i32
        %dma_start3A_235 = arith.constant 0 : i32
        %dma_start3A_236 = tpu.memref_slice %arg6[%sub3A_234, %dma_start3A_235] : memref<200x128xi32, #tpu.memory_space<vmem>> -> memref<1x128xi32, #tpu.memory_space<vmem>>
        %dma_start3A_237 = tpu.memref_squeeze %dma_start3A_236 : memref<1x128xi32, #tpu.memory_space<vmem>> -> memref<128xi32, #tpu.memory_space<vmem>>
        %dma_start3A_238 = arith.constant 0 : i32
        %dma_start3A_239 = arith.constant 0 : i32
        %dma_start3A_240 = tpu.memref_slice %arg3[%dma_start3A_238, %dma_start3A_239] : memref<100000x64xf32, #tpu.memory_space<hbm>> -> memref<100000x64xf32, #tpu.memory_space<hbm>>
        tpu.enqueue_indirect_dma source(%dma_start3A_240 : memref<100000x64xf32, #tpu.memory_space<hbm>>) target(%arg11 : memref<128x64xf32, #tpu.memory_space<vmem>>) offsets(%dma_start3A_237 : memref<128xi32, #tpu.memory_space<vmem>>) semaphore(%arg16 : memref<!tpu.dma_semaphore, #tpu.memory_space<semaphore_mem>>)
      } else {
      }
      %dma_wait3A_207 = arith.constant 0 : i32
      %dma_wait3A_208 = tpu.memref_slice %arg6[%add3A_197, %dma_wait3A_207] : memref<200x128xi32, #tpu.memory_space<vmem>> -> memref<1x128xi32, #tpu.memory_space<vmem>>
      %dma_wait3A_209 = tpu.memref_squeeze %dma_wait3A_208 : memref<1x128xi32, #tpu.memory_space<vmem>> -> memref<128xi32, #tpu.memory_space<vmem>>
      %dma_wait3A_210 = arith.constant 0 : i32
      %dma_wait3A_211 = arith.constant 0 : i32
      %dma_wait3A_212 = tpu.memref_slice %arg3[%dma_wait3A_210, %dma_wait3A_211] : memref<100000x64xf32, #tpu.memory_space<hbm>> -> memref<100000x64xf32, #tpu.memory_space<hbm>>
      tpu.wait_indirect_dma semaphore(%arg17 : memref<!tpu.dma_semaphore, #tpu.memory_space<semaphore_mem>>) src(%dma_wait3A_212 : memref<100000x64xf32, #tpu.memory_space<hbm>>) dst(%arg12 : memref<128x64xf32, #tpu.memory_space<vmem>>)
      %mul3A_213 = arith.constant 128 : i32
      %mul3A_214 = arith.muli %add3A_197, %mul3A_213 : i32
      %rem3A_215 = arith.constant 200 : i32
      %rem3A_216 = arith.remsi %mul3A_214, %rem3A_215 : i32
      %parallel_loop3A_217 = arith.constant 0 : i32
      %parallel_loop3A_218 = arith.constant 128 : i32
      %parallel_loop3A_219 = arith.constant 1 : i32
      scf.for %parallel_loop3A_227 = %parallel_loop3A_217 to %parallel_loop3A_218 step %parallel_loop3A_219  : i32 {
        %parallel_loop3A_228 = arith.addi %rem3A_216, %parallel_loop3A_227 : i32
        %parallel_loop3A_229 = arith.index_cast %parallel_loop3A_228 : i32 to index
        %parallel_loop3A_230 = arith.constant 0 : index
        %parallel_loop3A_231 = tpu.vector_load %arg7[%parallel_loop3A_229, %parallel_loop3A_230] {strides = array<i32>} : memref<400x64xf32, #tpu.memory_space<vmem>>, vector<1x16xf32>,
        %parallel_loop3A_232 = vector.shape_cast %parallel_loop3A_231 : vector<1x16xf32> to vector<16xf32>
        %parallel_loop3A_233 = arith.index_cast %parallel_loop3A_227 : i32 to index
        %parallel_loop3A_234 = arith.constant 0 : index
        %parallel_loop3A_235 = tpu.vector_load %arg12[%parallel_loop3A_233, %parallel_loop3A_234] {strides = array<i32>} : memref<128x64xf32, #tpu.memory_space<vmem>>, vector<1x16xf32>,
        %parallel_loop3A_236 = vector.shape_cast %parallel_loop3A_235 : vector<1x16xf32> to vector<16xf32>
        %parallel_loop3A_237 = vector.shape_cast %parallel_loop3A_232 : vector<16xf32> to vector<1x16xf32>
        tpu.vector_store %arg12[%parallel_loop3A_233, %parallel_loop3A_234], %parallel_loop3A_237 {add = true, strides = array<i32>} : memref<128x64xf32, #tpu.memory_space<vmem>>, vector<1x16xf32>,
        %parallel_loop3A_238 = arith.addi %rem3A_216, %parallel_loop3A_227 : i32
        %parallel_loop3A_239 = arith.index_cast %parallel_loop3A_238 : i32 to index
        %parallel_loop3A_240 = arith.constant 16 : index
        %parallel_loop3A_241 = tpu.vector_load %arg7[%parallel_loop3A_239, %parallel_loop3A_240] {strides = array<i32>} : memref<400x64xf32, #tpu.memory_space<vmem>>, vector<1x16xf32>,
        %parallel_loop3A_242 = vector.shape_cast %parallel_loop3A_241 : vector<1x16xf32> to vector<16xf32>
        %parallel_loop3A_243 = arith.index_cast %parallel_loop3A_227 : i32 to index
        %parallel_loop3A_244 = arith.constant 16 : index
        %parallel_loop3A_245 = tpu.vector_load %arg12[%parallel_loop3A_243, %parallel_loop3A_244] {strides = array<i32>} : memref<128x64xf32, #tpu.memory_space<vmem>>, vector<1x16xf32>,
        %parallel_loop3A_246 = vector.shape_cast %parallel_loop3A_245 : vector<1x16xf32> to vector<16xf32>
        %parallel_loop3A_247 = vector.shape_cast %parallel_loop3A_242 : vector<16xf32> to vector<1x16xf32>
        tpu.vector_store %arg12[%parallel_loop3A_243, %parallel_loop3A_244], %parallel_loop3A_247 {add = true, strides = array<i32>} : memref<128x64xf32, #tpu.memory_space<vmem>>, vector<1x16xf32>,
        %parallel_loop3A_248 = arith.addi %rem3A_216, %parallel_loop3A_227 : i32
        %parallel_loop3A_249 = arith.index_cast %parallel_loop3A_248 : i32 to index
        %parallel_loop3A_250 = arith.constant 32 : index
        %parallel_loop3A_251 = tpu.vector_load %arg7[%parallel_loop3A_249, %parallel_loop3A_250] {strides = array<i32>} : memref<400x64xf32, #tpu.memory_space<vmem>>, vector<1x16xf32>,
        %parallel_loop3A_252 = vector.shape_cast %parallel_loop3A_251 : vector<1x16xf32> to vector<16xf32>
        %parallel_loop3A_253 = arith.index_cast %parallel_loop3A_227 : i32 to index
        %parallel_loop3A_254 = arith.constant 32 : index
        %parallel_loop3A_255 = tpu.vector_load %arg12[%parallel_loop3A_253, %parallel_loop3A_254] {strides = array<i32>} : memref<128x64xf32, #tpu.memory_space<vmem>>, vector<1x16xf32>,
        %parallel_loop3A_256 = vector.shape_cast %parallel_loop3A_255 : vector<1x16xf32> to vector<16xf32>
        %parallel_loop3A_257 = vector.shape_cast %parallel_loop3A_252 : vector<16xf32> to vector<1x16xf32>
        tpu.vector_store %arg12[%parallel_loop3A_253, %parallel_loop3A_254], %parallel_loop3A_257 {add = true, strides = array<i32>} : memref<128x64xf32, #tpu.memory_space<vmem>>, vector<1x16xf32>,
        %parallel_loop3A_258 = arith.addi %rem3A_216, %parallel_loop3A_227 : i32
        %parallel_loop3A_259 = arith.index_cast %parallel_loop3A_258 : i32 to index
        %parallel_loop3A_260 = arith.constant 48 : index
        %parallel_loop3A_261 = tpu.vector_load %arg7[%parallel_loop3A_259, %parallel_loop3A_260] {strides = array<i32>} : memref<400x64xf32, #tpu.memory_space<vmem>>, vector<1x16xf32>,
        %parallel_loop3A_262 = vector.shape_cast %parallel_loop3A_261 : vector<1x16xf32> to vector<16xf32>
        %parallel_loop3A_263 = arith.index_cast %parallel_loop3A_227 : i32 to index
        %parallel_loop3A_264 = arith.constant 48 : index
        %parallel_loop3A_265 = tpu.vector_load %arg12[%parallel_loop3A_263, %parallel_loop3A_264] {strides = array<i32>} : memref<128x64xf32, #tpu.memory_space<vmem>>, vector<1x16xf32>,
        %parallel_loop3A_266 = vector.shape_cast %parallel_loop3A_265 : vector<1x16xf32> to vector<16xf32>
        %parallel_loop3A_267 = vector.shape_cast %parallel_loop3A_262 : vector<16xf32> to vector<1x16xf32>
        tpu.vector_store %arg12[%parallel_loop3A_263, %parallel_loop3A_264], %parallel_loop3A_267 {add = true, strides = array<i32>} : memref<128x64xf32, #tpu.memory_space<vmem>>, vector<1x16xf32>,
      } {sc.loop_unroll_factor = 8 : i64, sc.parallel_access}
      %add3A_220 = arith.addi %mul3A_2, %add3A_197 : i32
      %mul3A_221 = arith.constant 128 : i32
      %mul3A_222 = arith.muli %add3A_220, %mul3A_221 : i32
      %dma_start3A_223 = arith.constant 0 : i32
      %dma_start3A_224 = tpu.memref_slice %arg5[%mul3A_222, %dma_start3A_223] : memref<819200x128xf32, #tpu.memory_space<hbm>> -> memref<128x64xf32, #tpu.memory_space<hbm>>
      %dma_start3A_225 = arith.constant 0 : i32
      %dma_start3A_226 = tpu.memref_slice %arg5[%mul3A_222, %dma_start3A_225] : memref<819200x128xf32, #tpu.memory_space<hbm>> -> memref<128x64xf32, #tpu.memory_space<hbm>>
      tpu.enqueue_dma source(%arg12 : memref<128x64xf32, #tpu.memory_space<vmem>>) target(%dma_start3A_226 : memref<128x64xf32, #tpu.memory_space<hbm>>) target_semaphore(%arg22 : memref<!tpu.dma_semaphore, #tpu.memory_space<semaphore_mem>>)
    }
    %scan3A_33 = arith.constant 40 : i32
    %add3A_34 = arith.constant 195 : i32
    %add3A_35 = arith.addi %mul3A_2, %add3A_34 : i32
    %mul3A_36 = arith.constant 128 : i32
    %mul3A_37 = arith.muli %add3A_35, %mul3A_36 : i32
    %dma_wait3A = arith.constant 0 : i32
    %dma_wait3A_38 = tpu.memref_slice %arg5[%mul3A_37, %dma_wait3A] : memref<819200x128xf32, #tpu.memory_space<hbm>> -> memref<128x64xf32, #tpu.memory_space<hbm>>
    %dma_wait3A_39 = arith.constant 0 : i32
    %dma_wait3A_40 = tpu.memref_slice %arg5[%mul3A_37, %dma_wait3A_39] : memref<819200x128xf32, #tpu.memory_space<hbm>> -> memref<128x64xf32, #tpu.memory_space<hbm>>
    tpu.wait_dma2 semaphore(%arg18 : memref<!tpu.dma_semaphore, #tpu.memory_space<semaphore_mem>>) src(%arg8 : memref<128x64xf32, #tpu.memory_space<vmem>>) dst(%dma_wait3A_40 : memref<128x64xf32, #tpu.memory_space<hbm>>)
    %add3A_41 = arith.constant 196 : i32
    %add3A_42 = arith.addi %mul3A_2, %add3A_41 : i32
    %mul3A_43 = arith.constant 128 : i32
    %mul3A_44 = arith.muli %add3A_42, %mul3A_43 : i32
    %dma_wait3A_45 = arith.constant 0 : i32
    %dma_wait3A_46 = tpu.memref_slice %arg5[%mul3A_44, %dma_wait3A_45] : memref<819200x128xf32, #tpu.memory_space<hbm>> -> memref<128x64xf32, #tpu.memory_space<hbm>>
    %dma_wait3A_47 = arith.constant 0 : i32
    %dma_wait3A_48 = tpu.memref_slice %arg5[%mul3A_44, %dma_wait3A_47] : memref<819200x128xf32, #tpu.memory_space<hbm>> -> memref<128x64xf32, #tpu.memory_space<hbm>>
    tpu.wait_dma2 semaphore(%arg19 : memref<!tpu.dma_semaphore, #tpu.memory_space<semaphore_mem>>) src(%arg9 : memref<128x64xf32, #tpu.memory_space<vmem>>) dst(%dma_wait3A_48 : memref<128x64xf32, #tpu.memory_space<hbm>>)
    %add3A_49 = arith.constant 197 : i32
    %add3A_50 = arith.addi %mul3A_2, %add3A_49 : i32
    %mul3A_51 = arith.constant 128 : i32
    %mul3A_52 = arith.muli %add3A_50, %mul3A_51 : i32
    %dma_wait3A_53 = arith.constant 0 : i32
    %dma_wait3A_54 = tpu.memref_slice %arg5[%mul3A_52, %dma_wait3A_53] : memref<819200x128xf32, #tpu.memory_space<hbm>> -> memref<128x64xf32, #tpu.memory_space<hbm>>
    %dma_wait3A_55 = arith.constant 0 : i32
    %dma_wait3A_56 = tpu.memref_slice %arg5[%mul3A_52, %dma_wait3A_55] : memref<819200x128xf32, #tpu.memory_space<hbm>> -> memref<128x64xf32, #tpu.memory_space<hbm>>
    tpu.wait_dma2 semaphore(%arg20 : memref<!tpu.dma_semaphore, #tpu.memory_space<semaphore_mem>>) src(%arg10 : memref<128x64xf32, #tpu.memory_space<vmem>>) dst(%dma_wait3A_56 : memref<128x64xf32, #tpu.memory_space<hbm>>)
    %add3A_57 = arith.constant 198 : i32
    %add3A_58 = arith.addi %mul3A_2, %add3A_57 : i32
    %mul3A_59 = arith.constant 128 : i32
    %mul3A_60 = arith.muli %add3A_58, %mul3A_59 : i32
    %dma_wait3A_61 = arith.constant 0 : i32
    %dma_wait3A_62 = tpu.memref_slice %arg5[%mul3A_60, %dma_wait3A_61] : memref<819200x128xf32, #tpu.memory_space<hbm>> -> memref<128x64xf32, #tpu.memory_space<hbm>>
    %dma_wait3A_63 = arith.constant 0 : i32
    %dma_wait3A_64 = tpu.memref_slice %arg5[%mul3A_60, %dma_wait3A_63] : memref<819200x128xf32, #tpu.memory_space<hbm>> -> memref<128x64xf32, #tpu.memory_space<hbm>>
    tpu.wait_dma2 semaphore(%arg21 : memref<!tpu.dma_semaphore, #tpu.memory_space<semaphore_mem>>) src(%arg11 : memref<128x64xf32, #tpu.memory_space<vmem>>) dst(%dma_wait3A_64 : memref<128x64xf32, #tpu.memory_space<hbm>>)
    %add3A_65 = arith.constant 199 : i32
    %add3A_66 = arith.addi %mul3A_2, %add3A_65 : i32
    %mul3A_67 = arith.constant 128 : i32
    %mul3A_68 = arith.muli %add3A_66, %mul3A_67 : i32
    %dma_wait3A_69 = arith.constant 0 : i32
    %dma_wait3A_70 = tpu.memref_slice %arg5[%mul3A_68, %dma_wait3A_69] : memref<819200x128xf32, #tpu.memory_space<hbm>> -> memref<128x64xf32, #tpu.memory_space<hbm>>
    %dma_wait3A_71 = arith.constant 0 : i32
    %dma_wait3A_72 = tpu.memref_slice %arg5[%mul3A_68, %dma_wait3A_71] : memref<819200x128xf32, #tpu.memory_space<hbm>> -> memref<128x64xf32, #tpu.memory_space<hbm>>
    tpu.wait_dma2 semaphore(%arg22 : memref<!tpu.dma_semaphore, #tpu.memory_space<semaphore_mem>>) src(%arg12 : memref<128x64xf32, #tpu.memory_space<vmem>>) dst(%dma_wait3A_72 : memref<128x64xf32, #tpu.memory_space<hbm>>)
    return
  }
}

</mosaic_0001>

<sc_bundles>
// kernel: kernel.3.cloned.1.call-start
scs
__scs_entry_jumppad:
0x0: {  	(pc) =	sbr.rel $0x88, $3  }
0x1: {  	(tag) =	ssettag $0x0;
	lr =	simm.s32 $0x1  }
0x2: {  	[smem:$0x3F9E] =	sst lr;
	_ =	strace $0xD0000000  }
0x3: {  	_ = 	snop  }
0x4: {  	_ = 	snop  }
0x5: {  	_ = 	snop  }
0x6: {  	_ = 	snop  }
0x7: {  	_ = 	snop  }
__scs_overlays_trampoline_lowered:
0x8: {  	[smem:$0x3FAD] =	sst s0  }
0x9: {  	[smem:$0x3FAE] =	sst s1  }
0xa: {  	[smem:$0x3FAF] =	sst s2  }
0xb: {  	[smem:$0x3FB0] =	sst s3  }
0xc: {  	[smem:$0x3FB1] =	sst s4  }
0xd: {  	[smem:$0x3FB2] =	sst s5  }
0xe: {  	[smem:$0x3FB3] =	sst s6  }
0xf: {  	[smem:$0x3FB4] =	sst s7  }
0x10: {  	[smem:$0x3FB5] =	sst s8  }
0x11: {  	[smem:$0x3FB6] =	sst s9;
	s0 =	simm.s32 @!p0 $0x0  }
0x12: {  	s1 =	sld [smem:$0x3F9C];
	s0 =	simm.s32 @p0 $0x1  }
0x13: {  	[smem:$0x3FB7] =	sst s0;
	s0 =	simm.s32 @!p1 $0x0  }
0x14: {  	s2 =	sld [smem:$0x3F9B];
	s0 =	simm.s32 @p1 $0x1  }
0x15: {  	[smem:$0x3FB8] =	sst s0;
	s0 =	simm.s32 @!p2 $0x0  }
0x16: {  	s3 =	sld [smem:$0x3FDB];
	s0 =	simm.s32 @p2 $0x1  }
0x17: {  	s4 =	simm.s32 $0x1BF5;
	[smem:$0x3FBA] =	sst s0  }
0x18: {  	s0 =	sld [smem:$0x3F9D];
	_ =	swait.ge [sflag:s4], $0x0  }
0x19: {  	s7 =	sld [smem:$0x3F9E]  }
0x1a: {  	s8 =	sadd.s32 $0xFFFFE003, lr  }
0x1b: {  	s9 =	sadd.s32 $0xFFFFFEF7, lr;
	s5 =	simm.s32 $0xFFFFFFFF;
	p2 =	slt.u32 s8, $0xFFFFF086  }
0x1c: {  	p1 =	slt.u32 s9, $0xF7A;
	s5 =	simm.s32 @!p2 $0x0  }
0x1d: {  	s5 =	simm.s32 @p1 $0x1;
	p0 =	seq.s32 s7, s2  }
0x1e: {  	s7 =	smul.u32 @!p0 $0xF7A, s2;
	p2 =	seq.s32 @!p0 s5, $0x0  }
0x1f: {  	s9 =	smul.u32 $0xF7A, s1;
	s8 =	simm.s32 @!p0 $0x1BF5;
	p2 =	por !p2, p0  }
0x20: {  	[sflag:s8] =	ssyncset.s32 @!p0 $0xFFFFF086;
	s6 =	sadd.s32 @!p0 s3, s7;
	s7 =	simm.s32 @!p0 $0x108  }
0x21: {  	s3 =	sadd.s32 s3, s9;
	s6 =	sadd.s32 @!p0 $0x88, s6;
	s7 =	simm.s32 @p2 $0x1082  }
0x22: {  	[simem:s7], [sflag:s8] =	dma.local @!p0 [hbm:s6], $0xF7A  }
0x23: {  	s9 =	sor.u32 $0xD0000000, s2;
	s6 =	simm.s32 $0x108;
	_ =	swait.ge @!p0 [sflag:s8], $0x0  }
0x24: {  	s3 =	sadd.s32 $0x88, s3;
	s6 =	simm.s32 @!p1 $0x1082;
	[sflag:s4] =	ssyncset.s32 $0xFFFFF086  }
0x25: {  	[simem:s6], [sflag:s4] =	dma.local [hbm:s3], $0xF7A  }
0x26: {  	[smem:$0x3F9E] =	sst s1;
	(tag) =	ssettag s2;
	_ =	strace s9  }
0x27: {  	s1 =	sld [smem:$0x3FAE]  }
0x28: {  	s2 =	sld [smem:$0x3FAF]  }
0x29: {  	s4 =	sld [smem:$0x3FB1]  }
0x2a: {  	p0 =	seq.s32 s5, $0x0;
	s5 =	sld [smem:$0x3FB2]  }
0x2b: {  	s6 =	sld [smem:$0x3FB3]  }
0x2c: {  	s7 =	sld [smem:$0x3FB4]  }
0x2d: {  	s3 =	simm.s32 $0x108;
	s8 =	sld [smem:$0x3FB5]  }
0x2e: {  	s3 =	simm.s32 @!p0 $0x1082;
	s9 =	sld [smem:$0x3FB6]  }
0x2f: {  	lr =	sadd.s32 s0, s3;
	s0 =	sld [smem:$0x3FAD]  }
0x30: {  	s3 =	sld [smem:$0x3FB0]  }
0x31: {  	[smem:$0x3FB9] =	sst s10  }
0x32: {  	s10 =	sld [smem:$0x3FB7];
	_ =	sdelay $0x3  }
0x33: {  	p0 =	seq.s32 s10, $0x1;
	s10 =	sld [smem:$0x3FB9];
	_ =	sdelay $0x3  }
0x34: {  	[smem:$0x3FB9] =	sst s10  }
0x35: {  	s10 =	sld [smem:$0x3FB8];
	_ =	sdelay $0x3  }
0x36: {  	p1 =	seq.s32 s10, $0x1;
	s10 =	sld [smem:$0x3FB9];
	_ =	sdelay $0x3  }
0x37: {  	[smem:$0x3FB9] =	sst s10  }
0x38: {  	s10 =	sld [smem:$0x3FBA]  }
0x39: {  	_ = 	snop;
	(pc) =	sbr.ind lr, $3  }
0x3a: {  	_ = 	snop  }
0x3b: {  	_ = 	snop  }
0x3c: {  	p2 =	seq.s32 s10, $0x1;
	s10 =	sld [smem:$0x3FB9]  }
0x3d: {  	_ =	shalt  }
0x3e: {  	_ =	shalt  }
0x3f: {  	_ =	shalt  }
0x40: {  	_ =	shalt  }
0x41: {  	_ =	shalt  }
0x42: {  	_ =	shalt  }
0x43: {  	_ =	shalt  }
0x44: {  	_ =	shalt  }
0x45: {  	_ =	shalt  }
0x46: {  	_ =	shalt  }
0x47: {  	_ =	shalt  }
0x48: {  	_ =	shalt  }
0x49: {  	_ =	shalt  }
0x4a: {  	_ =	shalt  }
0x4b: {  	_ =	shalt  }
0x4c: {  	_ =	shalt  }
0x4d: {  	_ =	shalt  }
0x4e: {  	_ =	shalt  }
0x4f: {  	_ =	shalt  }
0x50: {  	_ =	shalt  }
0x51: {  	_ =	shalt  }
0x52: {  	_ =	shalt  }
0x53: {  	_ =	shalt  }
0x54: {  	_ =	shalt  }
0x55: {  	_ =	shalt  }
0x56: {  	_ =	shalt  }
0x57: {  	_ =	shalt  }
0x58: {  	_ =	shalt  }
0x59: {  	_ =	shalt  }
0x5a: {  	_ =	shalt  }
0x5b: {  	_ =	shalt  }
0x5c: {  	_ =	shalt  }
0x5d: {  	_ =	shalt  }
0x5e: {  	_ =	shalt  }
0x5f: {  	_ =	shalt  }
0x60: {  	_ =	shalt  }
0x61: {  	_ =	shalt  }
0x62: {  	_ =	shalt  }
0x63: {  	_ =	shalt  }
0x64: {  	_ =	shalt  }
0x65: {  	_ =	shalt  }
0x66: {  	_ =	shalt  }
0x67: {  	_ =	shalt  }
0x68: {  	_ =	shalt  }
0x69: {  	_ =	shalt  }
0x6a: {  	_ =	shalt  }
0x6b: {  	_ =	shalt  }
0x6c: {  	_ =	shalt  }
0x6d: {  	_ =	shalt  }
0x6e: {  	_ =	shalt  }
0x6f: {  	_ =	shalt  }
0x70: {  	_ =	shalt  }
0x71: {  	_ =	shalt  }
0x72: {  	_ =	shalt  }
0x73: {  	_ =	shalt  }
0x74: {  	_ =	shalt  }
0x75: {  	_ =	shalt  }
0x76: {  	_ =	shalt  }
0x77: {  	_ =	shalt  }
0x78: {  	_ =	shalt  }
0x79: {  	_ =	shalt  }
0x7a: {  	_ =	shalt  }
0x7b: {  	_ =	shalt  }
0x7c: {  	_ =	shalt  }
0x7d: {  	_ =	shalt  }
0x7e: {  	_ =	shalt  }
0x7f: {  	_ =	shalt  }
0x80: {  	_ =	shalt  }
0x81: {  	_ =	shalt  }
0x82: {  	_ =	shalt  }
0x83: {  	_ =	shalt  }
0x84: {  	_ =	shalt  }
0x85: {  	_ =	shalt  }
0x86: {  	_ =	shalt  }
0x87: {  	_ =	shalt  }
.Lfunc_end0:
.L_simem_size_0:
called_computation.1_lowered:
.L_overlay_start_0:
0x88: {  	s2 =	sld [smem:$0x3FD9]  }
0x89: {  	s3 =	sld [smem:$0x3FFE];
	_ =	sdelay $0x1  }
0x8a: {  	s1 =	srdreg.scid  }
0x8b: {  	s0 =	sand.u32 $0x1, s1  }
0x8c: {  	s16 =	sshll.u32 s0, $0xA;
	s2 =	sadd.s32 s3, s2  }
0x8d: {  	s2 =	sadd.s32 s2, s16  }
0x8e: {  	[smem:$0x3FC5] =	sst s2  }
0x8f: {  	_ = 	snop  }
0x90: {  	(tm) =	ssettm $0x1  }
0x91: {  	s17 =	sld [smem:$0x3FFB];
	_ =	sdelay $0x3  }
0x92: {  	_ =	strace s17  }
0x93: {  	s2 =	sld [smem:$0x3FFC];
	_ =	sdelay $0x3  }
0x94: {  	_ =	strace s2  }
0x95: {  	s2 =	sld [smem:$0x3FFD];
	_ =	sdelay $0x3  }
0x96: {  	_ =	strace s2  }
0x97: {  	_ =	strace $0x8FFFFFFF  }
0x98: {  	s18 =	sld [smem:$0x3FDB];
	_ =	sdelay $0x1  }
0x99: {  	s19 =	simm.s32 $_scs_section_size  }
0x9a: {  	s4 =	simm.s32 $_size__tile_overlayer_lowered;
	s5 =	simm.s32 $_tile_overlayer_lowered  }
0x9b: {  	s22 =	simm.s32 $0x1BFF;
	s21 =	sshll.u32 s5, $0x1;
	s2 =	sadd.s32 s19, s18  }
0x9c: {  	s6 =	simm.s32 $0x0;
	s20 =	sshll.u32 s4, $0x1;
	s4 =	sadd.s32 s21, s2  }
0x9d: {  	[timem:s6], [sflag:s22] =	dma.local [hbm:s4], s20  }
0x9e: {  	_ =	swait.ge [sflag:s22], s20  }
0x9f: {  	s3 =	ssub.s32 $0x0, s20;
	[sflag:s22] =	ssyncset.done $0x0  }
0xa0: {  	[sflag:s22] =	ssyncadd.s32 s3;
	_ =	sdelay $0x1  }
0xa1: {  	s23 =	simm.s32 $0x1B8B  }
0xa2: {  	_ =	swait.ge [sflag:s23], $0x1  }
0xa3: {  	[sflag:s23] =	ssyncset.done $0x0  }
0xa4: {  	s25 =	simm.s32 $0x1B8E;
	s24 =	sld [smem:$0x3FFE];
	[sflag:s23] =	ssyncadd.s32 $0xFFFFFFFF  }
0xa5: {  	s26 =	simm.s32 $execute0_lowered;
	[smem:$0x3FD2] =	sst s25  }
0xa6: {  	s4 =	sshll.u32 s26, $0x1;
	_ =	strace $0x80000046;
	[dreg:$0x1] =	wrdreg $0xFFFFFFFF  }
0xa7: {  	s28 =	simm.s32 $_size_execute0_lowered;
	s2 =	sadd.s32 s2, s4;
	[dreg:$0x0] =	wrdreg $0x0  }
0xa8: {  	s4 =	sshll.u32 s28, $0x1;
	[dreg:$0x2] =	wrdreg s2  }
0xa9: {  	[dreg:$0x3] =	wrdreg s4  }
0xaa: {  	[dreg:$0x4] =	wrdreg $0xC0  }
0xab: {  	_ =	task [dreg:s6], $0x5FFFF  }
0xac: {  	[dreg:$0x1] =	wrdreg $0xFFFFFFFF  }
0xad: {  	[dreg:$0x0] =	wrdreg $0x60  }
0xae: {  	[dreg:$0x2] =	wrdreg s24  }
0xaf: {  	[dreg:$0x3] =	wrdreg $0x9  }
0xb0: {  	_ =	task.clear_ibuf [dreg:s6], $0x4FFFF;
	_ =	strace $0x90000046  }
0xb1: {  	s29 =	simm.s32 $0x9;
	_ =	strace $0x80000048  }
0xb2: {  	_ =	swait.ge [sflag:s29], $0x1  }
0xb3: {  	[sflag:s29] =	ssyncadd.s32 $0xFFFFFFFF  }
0xb4: {  	_ =	strace $0x90000048  }
0xb5: {  	_ =	sfence  }
0xb6: {  	s30 =	sld [smem:$0x0];
	_ =	sdelay $0x2  }
0xb7: {  	s31 =	sshll.u32 s1, $0xD;
	s1 =	sshrl.u32 s1, $0x2  }
0xb8: {  	s3 =	sand.u32 $0x4000, s31;
	s1 =	sadd.s32 s1, s30  }
0xb9: {  	s0 =	sor.u32 s3, s0;
	s1 =	sshll.u32 s1, $0x11  }
0xba: {  	s0 =	sor.u32 s1, s0  }
0xbb: {  	s0 =	sadd.s32 $0x8F2B, s0  }
0xbc: {  	[sflag:s0] =	ssyncadd.remote.s32 $0x1  }
0xbd: {  	_ =	sfence.sel $0xFFFF  }
0xbe: {  	[dreg:$0x0] =	wrdreg $0xFFFFFFFF;
	(pc) =	sbr.abs _section_cstart, $3  }
0xbf: {  	[dreg:$0x1] =	wrdreg $0xFFFFFFFF  }
0xc0: {  	_ =	task.clear_ibuf [dreg:s6], $0x2FFFF;
	_ =	strace $0x9FFFFFFF  }
0xc1: {  	(tm) =	ssettm $0x7FFFFFFF  }
tec
execute0_lowered:
.L_overlay_start_1:
0x0: {  	(tag) =	ssettag $0x1  }
0x1: {  	s0 =	srdreg.scid;
	s2 =	stileid.u32  }
0x2: {  	s1 =	rddreg [dreg:$0x0];
	s3 =	simm.s32 $0x0;
	s15 =	simm.s32 $0x80  }
0x3: {  	s13 =	simm.s32 $0x14800;
	s17 =	simm.s32 $0x1;
	s18 =	simm.s32 $0x40  }
0x4: {  	s19 =	simm.s32 $0x2;
	s20 =	simm.s32 $0x3;
	s21 =	simm.s32 $0x4  }
0x5: {  	s22 =	simm.s32 $0x5;
	s0 =	sand.u32 $0x1, s0;
	s2 =	sshll.u32 s2, $0x1  }
0x6: {  	[smem:$0x7FF] =	sst s3;
	s2 =	sor.u32 s0, s2;
	s0 =	ssub.s32 $0x2, s0  }
0x7: {  	s3 =	sadd.s32 $0x1A600, s1;
	s29 =	smul.u32 $0xC80, s2;
	s30 =	sshrl.u32 s0, $0x1  }
0x8: {  	s5 =	sadd.s32 $0x800, s1;
	_ =	strace $0x80000047;
	s0 =	ssub.s32 s0, s30  }
0x9: {  	[dreg:$0x2] =	wrdreg s5;
	s4 =	sadd.s32 s29, s1;
	s0 =	smax.u32 s0, $0x1  }
0xa: {  	s5 =	sadd.s32 $0xDDC00, s1;
	s31 =	sadd.s32 $0x1600, s4;
	[dreg:$0x4] =	wrdreg s0  }
0xb: {  	s6 =	smul.u32 $0xC8, s2;
	s2 =	simm.s32 $0x0;
	[dreg:$0x3] =	wrdreg s31  }
.LBB2_1:
0xc: {  	[dreg:$0x5] =	wrdreg s2;
	s0 =	simm.s32 $0x0  }
0xd: {  	s1 =	rddreg [dreg:$0x2];
	s16 =	simm.s32 $0x6400;
	s23 =	simm.s32 $0xB  }
0xe: {  	[tilespmem:s16], [sflag:$0xB] =	stream.linear.gather [hbm4b:s1+s0], $0x6400, $0x38;
	[tilespmem:$0x16800] =	vst v63  }
0xf: {  	_ =	swait.ge [sflag:s23], $0x6400  }
0x10: {  	[sflag:s23] =	ssyncset.done $0x0  }
0x11: {  	s24 =	rddreg [dreg:$0x3];
	[sflag:s23] =	ssyncadd.s32 $0xFFFF9C00  }
0x12: {  	[tilespmem:s0], [sflag:$0xB] =	stream.linear.gather [hbm4b:s24+s0], $0x6400, $0x38;
	[tilespmem:$0x16800] =	vst v63  }
0x13: {  	s25 =	simm.s32 $0xC800;
	s26 =	simm.s32 $0xE800;
	_ =	swait.ge [sflag:s23], $0x6400  }
0x14: {  	s30 =	simm.s32 $0x100;
	s28 =	simm.s32 $0x10800;
	[sflag:s23] =	ssyncset.done $0x0  }
0x15: {  	s31 =	simm.s32 $0x180;
	s29 =	simm.s32 $0x12800;
	[sflag:s23] =	ssyncadd.s32 $0xFFFF9C00  }
0x16: {  	[tilespmem:s25], [sflag:$0x1] =	stream.indirect.gather [hbm4b:s3+s15], $0x40, s0, s15, $0xb8;
	[tilespmem:$0x16800] =	vst v63  }
0x17: {  	s9 =	simm.s32 $0xA400;
	s4 =	simm.s32 $0xC400;
	s7 =	simm.s32 $0xE400  }
0x18: {  	[tilespmem:s26], [sflag:$0x2] =	stream.indirect.gather [hbm4b:s3+s15], $0x40, s15, s15, $0xb8;
	[tilespmem:$0x16800] =	vst v63  }
0x19: {  	s8 =	simm.s32 $0x200;
	s2 =	simm.s32 $0x80;
	s1 =	simm.s32 $0x6500  }
0x1a: {  	[tilespmem:s28], [sflag:$0x3] =	stream.indirect.gather [hbm4b:s3+s15], $0x40, s30, s15, $0xb8;
	[tilespmem:$0x16800] =	vst v63  }
0x1b: {  	s24 =	simm.s32 $0x0;
	s23 =	simm.s32 $0x0;
	s0 =	simm.s32 $0x8400  }
0x1c: {  	[tilespmem:s29], [sflag:$0x4] =	stream.indirect.gather [hbm4b:s3+s15], $0x40, s31, s15, $0xb8;
	[tilespmem:$0x16800] =	vst v63  }
.LBB2_2:
0x1d: {  	s10 =	smulhi.u32 $0x51EB851F, s23;
	_ =	sdelay $0x1  }
0x1e: {  	s28 =	smul.u32 $0x5, s24;
	s10 =	sshrl.u32 s10, $0x6  }
0x1f: {  	p0 =	seq.s32 s24, $0x0;
	s10 =	smul.u32 $0xFFFF3800, s10  }
0x20: {  	s11 =	simm.s32 @!p0 $0xA  }
0x21: {  	s25 =	sadd.s32 $0x4, s28;
	_ =	swait.ge @!p0 [sflag:s11], $0x2000;
	s10 =	sshra.s32 s10, $0x2  }
0x22: {  	[sflag:s11] =	ssyncset.done @!p0 $0x0;
	s12 =	sshll.u32 s25, $0x7;
	s10 =	sadd.s32 s10, s1  }
0x23: {  	[sflag:s11] =	ssyncadd.s32 @!p0 $0xFFFFE000;
	s12 =	sand.u32 $0x3FFFFF80, s12;
	v0 =	vmov s10  }
0x24: {  	[tilespmem:s13], [sflag:$0x5] =	stream.indirect.gather [hbm4b:s3+s15], $0x40, s12, s15, $0xb8;
	[tilespmem:$0x16800] =	vst v63  }
0x25: {  	_ =	swait.ge [sflag:s17], $0x2000  }
0x26: {  	[sflag:s17] =	ssyncset.done $0x0  }
0x27: {  	s10 =	simm.s32 $0x0;
	[sflag:s17] =	ssyncadd.s32 $0xFFFFE000  }
0x28: {  	v1 =	vld.idx.msk [tilespmem:v0+s10+$0xC0 ss:$0x1], $0xffff  }
0x29: {  	v2 =	vld.idx.msk [tilespmem:v0+s10+$0xFFFFFF00 ss:$0x1], $0xffff  }
0x2a: {  	v3 =	vld.idx.msk [tilespmem:v0+s10+$0xFFFFFF40 ss:$0x1], $0xffff  }
0x2b: {  	v4 =	vld.idx.msk [tilespmem:v0+s10+$0xFFFFFF80 ss:$0x1], $0xffff  }
0x2c: {  	v5 =	vld.idx.msk [tilespmem:v0+s10+$0xFFFFFFC0 ss:$0x1], $0xffff  }
0x2d: {  	v6 =	vld.idx.msk [tilespmem:v0+s10+$0x0 ss:$0x1], $0xffff  }
0x2e: {  	v7 =	vld.idx.msk [tilespmem:v0+s10+$0x40 ss:$0x1], $0xffff  }
0x2f: {  	v8 =	vld.idx.msk [tilespmem:v0+s10+$0x80 ss:$0x1], $0xffff  }
0x30: {  	[tilespmem:s10+$0xC9C0] =	vst.add.f32.msk $0xffff, v1  }
0x31: {  	[tilespmem:s10+$0xC800] =	vst.add.f32.msk $0xffff, v2  }
0x32: {  	[tilespmem:s10+$0xC840] =	vst.add.f32.msk $0xffff, v3  }
0x33: {  	[tilespmem:s10+$0xC880] =	vst.add.f32.msk $0xffff, v4  }
0x34: {  	[tilespmem:s10+$0xC8C0] =	vst.add.f32.msk $0xffff, v5  }
0x35: {  	[tilespmem:s10+$0xC900] =	vst.add.f32.msk $0xffff, v6  }
0x36: {  	[tilespmem:s10+$0xC940] =	vst.add.f32.msk $0xffff, v7  }
0x37: {  	[tilespmem:s10+$0xC980] =	vst.add.f32.msk $0xffff, v8  }
0x38: {  	v1 =	vld.idx.msk [tilespmem:v0+s10+$0xD0 ss:$0x1], $0xffff  }
0x39: {  	v2 =	vld.idx.msk [tilespmem:v0+s10+$0xFFFFFF10 ss:$0x1], $0xffff  }
0x3a: {  	v3 =	vld.idx.msk [tilespmem:v0+s10+$0xFFFFFF50 ss:$0x1], $0xffff  }
0x3b: {  	v4 =	vld.idx.msk [tilespmem:v0+s10+$0xFFFFFF90 ss:$0x1], $0xffff  }
0x3c: {  	v5 =	vld.idx.msk [tilespmem:v0+s10+$0xFFFFFFD0 ss:$0x1], $0xffff  }
0x3d: {  	v6 =	vld.idx.msk [tilespmem:v0+s10+$0x10 ss:$0x1], $0xffff  }
0x3e: {  	v7 =	vld.idx.msk [tilespmem:v0+s10+$0x50 ss:$0x1], $0xffff  }
0x3f: {  	[tilespmem:s10+$0xC9D0] =	vst.add.f32.msk $0xffff, v1  }
0x40: {  	[tilespmem:s10+$0xC810] =	vst.add.f32.msk $0xffff, v2  }
0x41: {  	[tilespmem:s10+$0xC850] =	vst.add.f32.msk $0xffff, v3  }
0x42: {  	[tilespmem:s10+$0xC890] =	vst.add.f32.msk $0xffff, v4  }
0x43: {  	[tilespmem:s10+$0xC8D0] =	vst.add.f32.msk $0xffff, v5  }
0x44: {  	[tilespmem:s10+$0xC910] =	vst.add.f32.msk $0xffff, v6  }
0x45: {  	[tilespmem:s10+$0xC950] =	vst.add.f32.msk $0xffff, v7  }
0x46: {  	v1 =	vld.idx.msk [tilespmem:v0+s10+$0xE0 ss:$0x1], $0xffff  }
0x47: {  	v2 =	vld.idx.msk [tilespmem:v0+s10+$0xFFFFFF60 ss:$0x1], $0xffff  }
0x48: {  	v3 =	vld.idx.msk [tilespmem:v0+s10+$0xFFFFFFA0 ss:$0x1], $0xffff  }
0x49: {  	v56 =	vld.idx.msk [tilespmem:v0+s10+$0xFFFFFFE0 ss:$0x1], $0xffff  }
0x4a: {  	v57 =	vld.idx.msk [tilespmem:v0+s10+$0x20 ss:$0x1], $0xffff  }
0x4b: {  	v58 =	vld.idx.msk [tilespmem:v0+s10+$0x60 ss:$0x1], $0xffff  }
0x4c: {  	[tilespmem:s10+$0xC9E0] =	vst.add.f32.msk $0xffff, v1  }
0x4d: {  	[tilespmem:s10+$0xC860] =	vst.add.f32.msk $0xffff, v2  }
0x4e: {  	v1 =	vld.idx.msk [tilespmem:v0+s10+$0xF0 ss:$0x1], $0xffff  }
0x4f: {  	[tilespmem:s10+$0xC8A0] =	vst.add.f32.msk $0xffff, v3  }
0x50: {  	[tilespmem:s10+$0xC8E0] =	vst.add.f32.msk $0xffff, v56  }
0x51: {  	[tilespmem:s10+$0xC920] =	vst.add.f32.msk $0xffff, v57  }
0x52: {  	[tilespmem:s10+$0xC960] =	vst.add.f32.msk $0xffff, v58  }
0x53: {  	[tilespmem:s10+$0xC9F0] =	vst.add.f32.msk $0xffff, v1  }
0x54: {  	v1 =	vld.idx.msk [tilespmem:v0+s10+$0x90 ss:$0x1], $0xffff  }
0x55: {  	v3 =	vld.idx.msk [tilespmem:v0+s10+$0xFFFFFF70 ss:$0x1], $0xffff  }
0x56: {  	v60 =	vld.idx.msk [tilespmem:v0+s10+$0xFFFFFFB0 ss:$0x1], $0xffff  }
0x57: {  	v61 =	vld.idx.msk [tilespmem:v0+s10+$0xFFFFFFF0 ss:$0x1], $0xffff  }
0x58: {  	v62 =	vld.idx.msk [tilespmem:v0+s10+$0x30 ss:$0x1], $0xffff  }
0x59: {  	[tilespmem:s10+$0xC990] =	vst.add.f32.msk $0xffff, v1  }
0x5a: {  	v1 =	vld.idx.msk [tilespmem:v0+s10+$0xFFFFFF20 ss:$0x1], $0xffff  }
0x5b: {  	v59 =	vld.idx.msk [tilespmem:v0+s10+$0xA0 ss:$0x1], $0xffff  }
0x5c: {  	s14 =	smulhi.u32 $0x51EB851F, s8;
	v63 =	vld.idx.msk [tilespmem:v0+s10+$0x70 ss:$0x1], $0xffff  }
0x5d: {  	s16 =	smulhi.u32 $0x51EB851F, s31;
	[tilespmem:s10+$0xC870] =	vst.add.f32.msk $0xffff, v3  }
0x5e: {  	s26 =	smulhi.u32 $0x51EB851F, s30;
	[tilespmem:s10+$0xC8B0] =	vst.add.f32.msk $0xffff, v60  }
0x5f: {  	s11 =	sshrl.u32 s14, $0x6;
	s14 =	smulhi.u32 $0x51EB851F, s2;
	[tilespmem:s10+$0xC820] =	vst.add.f32.msk $0xffff, v1  }
0x60: {  	s11 =	smul.u32 $0xFFFF3800, s11;
	s12 =	sshrl.u32 s16, $0x6;
	[tilespmem:s10+$0xC9A0] =	vst.add.f32.msk $0xffff, v59  }
0x61: {  	s13 =	sshrl.u32 s26, $0x6;
	s12 =	smul.u32 $0xFFFF3800, s12;
	v2 =	vld.idx.msk [tilespmem:v0+s10+$0xFFFFFF30 ss:$0x1], $0xffff  }
0x62: {  	s13 =	smul.u32 $0xFFFF3800, s13;
	s14 =	sshrl.u32 s14, $0x6;
	v1 =	vld.idx.msk [tilespmem:v0+s10+$0xB0 ss:$0x1], $0xffff  }
0x63: {  	s11 =	sshra.s32 s11, $0x2;
	s14 =	smul.u32 $0xFFFF3800, s14;
	[tilespmem:s10+$0xC8F0] =	vst.add.f32.msk $0xffff, v61  }
0x64: {  	s26 =	sadd.s32 s11, s7;
	s12 =	sshra.s32 s12, $0x2;
	s13 =	sshra.s32 s13, $0x2;
	[tilespmem:s10+$0xC930] =	vst.add.f32.msk $0xffff, v62  }
0x65: {  	s29 =	sadd.s32 s12, s4;
	s11 =	sadd.s32 s13, s9;
	s16 =	sshra.s32 s14, $0x2;
	[tilespmem:s10+$0xC970] =	vst.add.f32.msk $0xffff, v63  }
0x66: {  	s13 =	simm.s32 $0x0;
	s14 =	simm.s32 $0x800;
	s12 =	sadd.s32 s16, s0;
	[tilespmem:s10+$0xC830] =	vst.add.f32.msk $0xffff, v2  }
.LBB2_3:
0x67: {  	s13 =	sadd.s32 $0x8, s13;
	[tilespmem:s10+$0xC9B0] =	vst.add.f32.msk $0xffff, v1;
	s10 =	sshra.s32 s14, $0x2  }
0x68: {  	v1 =	vld.idx.msk [tilespmem:v0+s10+$0xC0 ss:$0x1], $0xffff;
	p0 =	slt.u32 s13, $0x78  }
0x69: {  	v2 =	vld.idx.msk [tilespmem:v0+s10+$0xFFFFFF00 ss:$0x1], $0xffff  }
0x6a: {  	v3 =	vld.idx.msk [tilespmem:v0+s10+$0xFFFFFF40 ss:$0x1], $0xffff  }
0x6b: {  	v4 =	vld.idx.msk [tilespmem:v0+s10+$0xFFFFFF80 ss:$0x1], $0xffff  }
0x6c: {  	v5 =	vld.idx.msk [tilespmem:v0+s10+$0xFFFFFFC0 ss:$0x1], $0xffff  }
0x6d: {  	v6 =	vld.idx.msk [tilespmem:v0+s10+$0x0 ss:$0x1], $0xffff  }
0x6e: {  	[tilespmem:s10+$0xC9C0] =	vst.add.f32.msk $0xffff, v1  }
0x6f: {  	v1 =	vld.idx.msk [tilespmem:v0+s10+$0xD0 ss:$0x1], $0xffff  }
0x70: {  	v7 =	vld.idx.msk [tilespmem:v0+s10+$0x40 ss:$0x1], $0xffff  }
0x71: {  	v8 =	vld.idx.msk [tilespmem:v0+s10+$0x80 ss:$0x1], $0xffff  }
0x72: {  	[tilespmem:s10+$0xC800] =	vst.add.f32.msk $0xffff, v2  }
0x73: {  	[tilespmem:s10+$0xC840] =	vst.add.f32.msk $0xffff, v3  }
0x74: {  	[tilespmem:s10+$0xC880] =	vst.add.f32.msk $0xffff, v4  }
0x75: {  	[tilespmem:s10+$0xC9D0] =	vst.add.f32.msk $0xffff, v1  }
0x76: {  	v1 =	vld.idx.msk [tilespmem:v0+s10+$0xE0 ss:$0x1], $0xffff  }
0x77: {  	[tilespmem:s10+$0xC8C0] =	vst.add.f32.msk $0xffff, v5  }
0x78: {  	[tilespmem:s10+$0xC900] =	vst.add.f32.msk $0xffff, v6  }
0x79: {  	[tilespmem:s10+$0xC940] =	vst.add.f32.msk $0xffff, v7  }
0x7a: {  	[tilespmem:s10+$0xC980] =	vst.add.f32.msk $0xffff, v8  }
0x7b: {  	v2 =	vld.idx.msk [tilespmem:v0+s10+$0xFFFFFF10 ss:$0x1], $0xffff  }
0x7c: {  	[tilespmem:s10+$0xC9E0] =	vst.add.f32.msk $0xffff, v1  }
0x7d: {  	v1 =	vld.idx.msk [tilespmem:v0+s10+$0xF0 ss:$0x1], $0xffff  }
0x7e: {  	v3 =	vld.idx.msk [tilespmem:v0+s10+$0xFFFFFF50 ss:$0x1], $0xffff  }
0x7f: {  	v4 =	vld.idx.msk [tilespmem:v0+s10+$0xFFFFFF90 ss:$0x1], $0xffff  }
0x80: {  	v5 =	vld.idx.msk [tilespmem:v0+s10+$0xFFFFFFD0 ss:$0x1], $0xffff  }
0x81: {  	v6 =	vld.idx.msk [tilespmem:v0+s10+$0x10 ss:$0x1], $0xffff  }
0x82: {  	v7 =	vld.idx.msk [tilespmem:v0+s10+$0x50 ss:$0x1], $0xffff  }
0x83: {  	[tilespmem:s10+$0xC9F0] =	vst.add.f32.msk $0xffff, v1  }
0x84: {  	v1 =	vld.idx.msk [tilespmem:v0+s10+$0x90 ss:$0x1], $0xffff  }
0x85: {  	[tilespmem:s10+$0xC810] =	vst.add.f32.msk $0xffff, v2  }
0x86: {  	[tilespmem:s10+$0xC850] =	vst.add.f32.msk $0xffff, v3  }
0x87: {  	[tilespmem:s10+$0xC890] =	vst.add.f32.msk $0xffff, v4  }
0x88: {  	[tilespmem:s10+$0xC8D0] =	vst.add.f32.msk $0xffff, v5  }
0x89: {  	[tilespmem:s10+$0xC910] =	vst.add.f32.msk $0xffff, v6  }
0x8a: {  	[tilespmem:s10+$0xC950] =	vst.add.f32.msk $0xffff, v7  }
0x8b: {  	[tilespmem:s10+$0xC990] =	vst.add.f32.msk $0xffff, v1  }
0x8c: {  	v1 =	vld.idx.msk [tilespmem:v0+s10+$0xFFFFFF20 ss:$0x1], $0xffff  }
0x8d: {  	v2 =	vld.idx.msk [tilespmem:v0+s10+$0xFFFFFF60 ss:$0x1], $0xffff  }
0x8e: {  	v3 =	vld.idx.msk [tilespmem:v0+s10+$0xFFFFFFA0 ss:$0x1], $0xffff  }
0x8f: {  	v4 =	vld.idx.msk [tilespmem:v0+s10+$0xFFFFFFE0 ss:$0x1], $0xffff  }
0x90: {  	v5 =	vld.idx.msk [tilespmem:v0+s10+$0x20 ss:$0x1], $0xffff  }
0x91: {  	v6 =	vld.idx.msk [tilespmem:v0+s10+$0x60 ss:$0x1], $0xffff  }
0x92: {  	v7 =	vld.idx.msk [tilespmem:v0+s10+$0xA0 ss:$0x1], $0xffff  }
0x93: {  	[tilespmem:s10+$0xC820] =	vst.add.f32.msk $0xffff, v1  }
0x94: {  	[tilespmem:s10+$0xC860] =	vst.add.f32.msk $0xffff, v2  }
0x95: {  	[tilespmem:s10+$0xC8A0] =	vst.add.f32.msk $0xffff, v3  }
0x96: {  	[tilespmem:s10+$0xC8E0] =	vst.add.f32.msk $0xffff, v4  }
0x97: {  	[tilespmem:s10+$0xC920] =	vst.add.f32.msk $0xffff, v5  }
0x98: {  	[tilespmem:s10+$0xC960] =	vst.add.f32.msk $0xffff, v6  }
0x99: {  	[tilespmem:s10+$0xC9A0] =	vst.add.f32.msk $0xffff, v7  }
0x9a: {  	v2 =	vld.idx.msk [tilespmem:v0+s10+$0xFFFFFF30 ss:$0x1], $0xffff  }
0x9b: {  	v3 =	vld.idx.msk [tilespmem:v0+s10+$0xFFFFFF70 ss:$0x1], $0xffff  }
0x9c: {  	v4 =	vld.idx.msk [tilespmem:v0+s10+$0xFFFFFFB0 ss:$0x1], $0xffff  }
0x9d: {  	v5 =	vld.idx.msk [tilespmem:v0+s10+$0xFFFFFFF0 ss:$0x1], $0xffff  }
0x9e: {  	v6 =	vld.idx.msk [tilespmem:v0+s10+$0x30 ss:$0x1], $0xffff  }
0x9f: {  	v7 =	vld.idx.msk [tilespmem:v0+s10+$0x70 ss:$0x1], $0xffff  }
0xa0: {  	v1 =	vld.idx.msk [tilespmem:v0+s10+$0xB0 ss:$0x1], $0xffff  }
0xa1: {  	[tilespmem:s10+$0xC830] =	vst.add.f32.msk $0xffff, v2  }
.Ltmp0:
0xa2: {  	[tilespmem:s10+$0xC870] =	vst.add.f32.msk $0xffff, v3;
	(pc) =	sbr.rel @p0 .LBB2_3-.Ltmp0, $4  }
0xa3: {  	[tilespmem:s10+$0xC8B0] =	vst.add.f32.msk $0xffff, v4  }
0xa4: {  	[tilespmem:s10+$0xC8F0] =	vst.add.f32.msk $0xffff, v5  }
0xa5: {  	[tilespmem:s10+$0xC930] =	vst.add.f32.msk $0xffff, v6  }
0xa6: {  	s14 =	sadd.s32 $0x800, s14;
	[tilespmem:s10+$0xC970] =	vst.add.f32.msk $0xffff, v7  }
0xa7: {  	s13 =	sadd.s32 s6, s28  }
0xa8: {  	p0 =	seq.s32 s24, $0x27;
	s13 =	sshll.u32 s13, $0xB  }
0xa9: {  	[tilespmem:s10+$0xC9B0] =	vst.add.f32.msk $0xffff, v1;
	s16 =	simm.s32 $0xC800;
	s10 =	simm.s32 @!p0 $0x6;
	s14 =	sadd.s32 s5, s13  }
0xaa: {  	[hbm4b:s14+s18] =	stream.strided.scatter [tilespmem:s16], [sflag:$0x6], $0x2000, s15, s18, $0x38;
	[tilespmem:$0x16800] =	vst v63  }
0xab: {  	s13 =	smul.u32 @!p0 $0xA00, s24;
	_ =	swait.ge @!p0 [sflag:s10], $0x2000  }
0xac: {  	[sflag:s10] =	ssyncset.done @!p0 $0x0  }
0xad: {  	[sflag:s10] =	ssyncadd.s32 @!p0 $0xFFFFE000;
	s10 =	sshra.s32 @!p0 s13, $0x2  }
0xae: {  	v0 =	vmov s12;
	s14 =	simm.s32 @!p0 $0x80;
	s16 =	simm.s32 @!p0 $0xC800;
	s13 =	sadd.s32 @!p0 $0x280, s10  }
0xaf: {  	[tilespmem:s16], [sflag:$0x1] =	stream.indirect.gather @!p0 [hbm4b:s3+s14], $0x40, s13, s14, $0xb8;
	[tilespmem:$0x16800] =	vst v63  }
0xb0: {  	_ =	swait.ge [sflag:s19], $0x2000  }
0xb1: {  	[sflag:s19] =	ssyncset.done $0x0  }
0xb2: {  	s12 =	simm.s32 $0x0;
	[sflag:s19] =	ssyncadd.s32 $0xFFFFE000  }
0xb3: {  	v1 =	vld.idx.msk [tilespmem:v0+s12+$0x1C0 ss:$0x1], $0xffff  }
0xb4: {  	v2 =	vld.idx.msk [tilespmem:v0+s12+$0x0 ss:$0x1], $0xffff  }
0xb5: {  	v3 =	vld.idx.msk [tilespmem:v0+s12+$0x40 ss:$0x1], $0xffff  }
0xb6: {  	v4 =	vld.idx.msk [tilespmem:v0+s12+$0x80 ss:$0x1], $0xffff  }
0xb7: {  	v5 =	vld.idx.msk [tilespmem:v0+s12+$0xC0 ss:$0x1], $0xffff  }
0xb8: {  	v6 =	vld.idx.msk [tilespmem:v0+s12+$0x100 ss:$0x1], $0xffff  }
0xb9: {  	v7 =	vld.idx.msk [tilespmem:v0+s12+$0x140 ss:$0x1], $0xffff  }
0xba: {  	v8 =	vld.idx.msk [tilespmem:v0+s12+$0x180 ss:$0x1], $0xffff  }
0xbb: {  	[tilespmem:s12+$0xE9C0] =	vst.add.f32.msk $0xffff, v1  }
0xbc: {  	[tilespmem:s12+$0xE800] =	vst.add.f32.msk $0xffff, v2  }
0xbd: {  	[tilespmem:s12+$0xE840] =	vst.add.f32.msk $0xffff, v3  }
0xbe: {  	[tilespmem:s12+$0xE880] =	vst.add.f32.msk $0xffff, v4  }
0xbf: {  	[tilespmem:s12+$0xE8C0] =	vst.add.f32.msk $0xffff, v5  }
0xc0: {  	[tilespmem:s12+$0xE900] =	vst.add.f32.msk $0xffff, v6  }
0xc1: {  	[tilespmem:s12+$0xE940] =	vst.add.f32.msk $0xffff, v7  }
0xc2: {  	[tilespmem:s12+$0xE980] =	vst.add.f32.msk $0xffff, v8  }
0xc3: {  	v1 =	vld.idx.msk [tilespmem:v0+s12+$0x1D0 ss:$0x1], $0xffff  }
0xc4: {  	v2 =	vld.idx.msk [tilespmem:v0+s12+$0x10 ss:$0x1], $0xffff  }
0xc5: {  	v3 =	vld.idx.msk [tilespmem:v0+s12+$0x50 ss:$0x1], $0xffff  }
0xc6: {  	v4 =	vld.idx.msk [tilespmem:v0+s12+$0x90 ss:$0x1], $0xffff  }
0xc7: {  	v5 =	vld.idx.msk [tilespmem:v0+s12+$0xD0 ss:$0x1], $0xffff  }
0xc8: {  	v6 =	vld.idx.msk [tilespmem:v0+s12+$0x110 ss:$0x1], $0xffff  }
0xc9: {  	v7 =	vld.idx.msk [tilespmem:v0+s12+$0x150 ss:$0x1], $0xffff  }
0xca: {  	[tilespmem:s12+$0xE9D0] =	vst.add.f32.msk $0xffff, v1  }
0xcb: {  	[tilespmem:s12+$0xE810] =	vst.add.f32.msk $0xffff, v2  }
0xcc: {  	[tilespmem:s12+$0xE850] =	vst.add.f32.msk $0xffff, v3  }
0xcd: {  	[tilespmem:s12+$0xE890] =	vst.add.f32.msk $0xffff, v4  }
0xce: {  	[tilespmem:s12+$0xE8D0] =	vst.add.f32.msk $0xffff, v5  }
0xcf: {  	[tilespmem:s12+$0xE910] =	vst.add.f32.msk $0xffff, v6  }
0xd0: {  	[tilespmem:s12+$0xE950] =	vst.add.f32.msk $0xffff, v7  }
0xd1: {  	v1 =	vld.idx.msk [tilespmem:v0+s12+$0x1E0 ss:$0x1], $0xffff  }
0xd2: {  	v2 =	vld.idx.msk [tilespmem:v0+s12+$0x60 ss:$0x1], $0xffff  }
0xd3: {  	v3 =	vld.idx.msk [tilespmem:v0+s12+$0xA0 ss:$0x1], $0xffff  }
0xd4: {  	v56 =	vld.idx.msk [tilespmem:v0+s12+$0xE0 ss:$0x1], $0xffff  }
0xd5: {  	v57 =	vld.idx.msk [tilespmem:v0+s12+$0x120 ss:$0x1], $0xffff  }
0xd6: {  	v58 =	vld.idx.msk [tilespmem:v0+s12+$0x160 ss:$0x1], $0xffff  }
0xd7: {  	[tilespmem:s12+$0xE9E0] =	vst.add.f32.msk $0xffff, v1  }
0xd8: {  	[tilespmem:s12+$0xE860] =	vst.add.f32.msk $0xffff, v2  }
0xd9: {  	v1 =	vld.idx.msk [tilespmem:v0+s12+$0x1F0 ss:$0x1], $0xffff  }
0xda: {  	[tilespmem:s12+$0xE8A0] =	vst.add.f32.msk $0xffff, v3  }
0xdb: {  	[tilespmem:s12+$0xE8E0] =	vst.add.f32.msk $0xffff, v56  }
0xdc: {  	[tilespmem:s12+$0xE920] =	vst.add.f32.msk $0xffff, v57  }
0xdd: {  	[tilespmem:s12+$0xE960] =	vst.add.f32.msk $0xffff, v58  }
0xde: {  	[tilespmem:s12+$0xE9F0] =	vst.add.f32.msk $0xffff, v1  }
0xdf: {  	v1 =	vld.idx.msk [tilespmem:v0+s12+$0x190 ss:$0x1], $0xffff  }
0xe0: {  	v3 =	vld.idx.msk [tilespmem:v0+s12+$0x70 ss:$0x1], $0xffff  }
0xe1: {  	v60 =	vld.idx.msk [tilespmem:v0+s12+$0xB0 ss:$0x1], $0xffff  }
0xe2: {  	v61 =	vld.idx.msk [tilespmem:v0+s12+$0xF0 ss:$0x1], $0xffff  }
0xe3: {  	v62 =	vld.idx.msk [tilespmem:v0+s12+$0x130 ss:$0x1], $0xffff  }
0xe4: {  	[tilespmem:s12+$0xE990] =	vst.add.f32.msk $0xffff, v1  }
0xe5: {  	v1 =	vld.idx.msk [tilespmem:v0+s12+$0x20 ss:$0x1], $0xffff  }
0xe6: {  	v59 =	vld.idx.msk [tilespmem:v0+s12+$0x1A0 ss:$0x1], $0xffff  }
0xe7: {  	v63 =	vld.idx.msk [tilespmem:v0+s12+$0x170 ss:$0x1], $0xffff  }
0xe8: {  	[tilespmem:s12+$0xE870] =	vst.add.f32.msk $0xffff, v3  }
0xe9: {  	[tilespmem:s12+$0xE8B0] =	vst.add.f32.msk $0xffff, v60  }
0xea: {  	[tilespmem:s12+$0xE820] =	vst.add.f32.msk $0xffff, v1  }
0xeb: {  	[tilespmem:s12+$0xE9A0] =	vst.add.f32.msk $0xffff, v59  }
0xec: {  	v2 =	vld.idx.msk [tilespmem:v0+s12+$0x30 ss:$0x1], $0xffff  }
0xed: {  	v1 =	vld.idx.msk [tilespmem:v0+s12+$0x1B0 ss:$0x1], $0xffff  }
0xee: {  	[tilespmem:s12+$0xE8F0] =	vst.add.f32.msk $0xffff, v61  }
0xef: {  	[tilespmem:s12+$0xE930] =	vst.add.f32.msk $0xffff, v62  }
0xf0: {  	[tilespmem:s12+$0xE970] =	vst.add.f32.msk $0xffff, v63  }
0xf1: {  	s13 =	sadd.s32 $0x1, s28;
	s14 =	simm.s32 $0x0;
	s16 =	simm.s32 $0x800;
	[tilespmem:s12+$0xE830] =	vst.add.f32.msk $0xffff, v2  }
.LBB2_5:
0xf2: {  	s14 =	sadd.s32 $0x8, s14;
	[tilespmem:s12+$0xE9B0] =	vst.add.f32.msk $0xffff, v1;
	s12 =	sshra.s32 s16, $0x2  }
0xf3: {  	v1 =	vld.idx.msk [tilespmem:v0+s12+$0x1C0 ss:$0x1], $0xffff;
	p1 =	slt.u32 s14, $0x78  }
0xf4: {  	v2 =	vld.idx.msk [tilespmem:v0+s12+$0x0 ss:$0x1], $0xffff  }
0xf5: {  	v3 =	vld.idx.msk [tilespmem:v0+s12+$0x40 ss:$0x1], $0xffff  }
0xf6: {  	v4 =	vld.idx.msk [tilespmem:v0+s12+$0x80 ss:$0x1], $0xffff  }
0xf7: {  	v5 =	vld.idx.msk [tilespmem:v0+s12+$0xC0 ss:$0x1], $0xffff  }
0xf8: {  	v6 =	vld.idx.msk [tilespmem:v0+s12+$0x100 ss:$0x1], $0xffff  }
0xf9: {  	[tilespmem:s12+$0xE9C0] =	vst.add.f32.msk $0xffff, v1  }
0xfa: {  	v1 =	vld.idx.msk [tilespmem:v0+s12+$0x1D0 ss:$0x1], $0xffff  }
0xfb: {  	v7 =	vld.idx.msk [tilespmem:v0+s12+$0x140 ss:$0x1], $0xffff  }
0xfc: {  	v8 =	vld.idx.msk [tilespmem:v0+s12+$0x180 ss:$0x1], $0xffff  }
0xfd: {  	[tilespmem:s12+$0xE800] =	vst.add.f32.msk $0xffff, v2  }
0xfe: {  	[tilespmem:s12+$0xE840] =	vst.add.f32.msk $0xffff, v3  }
0xff: {  	[tilespmem:s12+$0xE880] =	vst.add.f32.msk $0xffff, v4  }
0x100: {  	[tilespmem:s12+$0xE9D0] =	vst.add.f32.msk $0xffff, v1  }
0x101: {  	v1 =	vld.idx.msk [tilespmem:v0+s12+$0x1E0 ss:$0x1], $0xffff  }
0x102: {  	[tilespmem:s12+$0xE8C0] =	vst.add.f32.msk $0xffff, v5  }
0x103: {  	[tilespmem:s12+$0xE900] =	vst.add.f32.msk $0xffff, v6  }
0x104: {  	[tilespmem:s12+$0xE940] =	vst.add.f32.msk $0xffff, v7  }
0x105: {  	[tilespmem:s12+$0xE980] =	vst.add.f32.msk $0xffff, v8  }
0x106: {  	v2 =	vld.idx.msk [tilespmem:v0+s12+$0x10 ss:$0x1], $0xffff  }
0x107: {  	[tilespmem:s12+$0xE9E0] =	vst.add.f32.msk $0xffff, v1  }
0x108: {  	v1 =	vld.idx.msk [tilespmem:v0+s12+$0x1F0 ss:$0x1], $0xffff  }
0x109: {  	v3 =	vld.idx.msk [tilespmem:v0+s12+$0x50 ss:$0x1], $0xffff  }
0x10a: {  	v4 =	vld.idx.msk [tilespmem:v0+s12+$0x90 ss:$0x1], $0xffff  }
0x10b: {  	v5 =	vld.idx.msk [tilespmem:v0+s12+$0xD0 ss:$0x1], $0xffff  }
0x10c: {  	v6 =	vld.idx.msk [tilespmem:v0+s12+$0x110 ss:$0x1], $0xffff  }
0x10d: {  	v7 =	vld.idx.msk [tilespmem:v0+s12+$0x150 ss:$0x1], $0xffff  }
0x10e: {  	[tilespmem:s12+$0xE9F0] =	vst.add.f32.msk $0xffff, v1  }
0x10f: {  	v1 =	vld.idx.msk [tilespmem:v0+s12+$0x190 ss:$0x1], $0xffff  }
0x110: {  	[tilespmem:s12+$0xE810] =	vst.add.f32.msk $0xffff, v2  }
0x111: {  	[tilespmem:s12+$0xE850] =	vst.add.f32.msk $0xffff, v3  }
0x112: {  	[tilespmem:s12+$0xE890] =	vst.add.f32.msk $0xffff, v4  }
0x113: {  	[tilespmem:s12+$0xE8D0] =	vst.add.f32.msk $0xffff, v5  }
0x114: {  	[tilespmem:s12+$0xE910] =	vst.add.f32.msk $0xffff, v6  }
0x115: {  	[tilespmem:s12+$0xE950] =	vst.add.f32.msk $0xffff, v7  }
0x116: {  	[tilespmem:s12+$0xE990] =	vst.add.f32.msk $0xffff, v1  }
0x117: {  	v1 =	vld.idx.msk [tilespmem:v0+s12+$0x20 ss:$0x1], $0xffff  }
0x118: {  	v2 =	vld.idx.msk [tilespmem:v0+s12+$0x60 ss:$0x1], $0xffff  }
0x119: {  	v3 =	vld.idx.msk [tilespmem:v0+s12+$0xA0 ss:$0x1], $0xffff  }
0x11a: {  	v4 =	vld.idx.msk [tilespmem:v0+s12+$0xE0 ss:$0x1], $0xffff  }
0x11b: {  	v5 =	vld.idx.msk [tilespmem:v0+s12+$0x120 ss:$0x1], $0xffff  }
0x11c: {  	v6 =	vld.idx.msk [tilespmem:v0+s12+$0x160 ss:$0x1], $0xffff  }
0x11d: {  	v7 =	vld.idx.msk [tilespmem:v0+s12+$0x1A0 ss:$0x1], $0xffff  }
0x11e: {  	[tilespmem:s12+$0xE820] =	vst.add.f32.msk $0xffff, v1  }
0x11f: {  	[tilespmem:s12+$0xE860] =	vst.add.f32.msk $0xffff, v2  }
0x120: {  	[tilespmem:s12+$0xE8A0] =	vst.add.f32.msk $0xffff, v3  }
0x121: {  	[tilespmem:s12+$0xE8E0] =	vst.add.f32.msk $0xffff, v4  }
0x122: {  	[tilespmem:s12+$0xE920] =	vst.add.f32.msk $0xffff, v5  }
0x123: {  	[tilespmem:s12+$0xE960] =	vst.add.f32.msk $0xffff, v6  }
0x124: {  	[tilespmem:s12+$0xE9A0] =	vst.add.f32.msk $0xffff, v7  }
0x125: {  	v2 =	vld.idx.msk [tilespmem:v0+s12+$0x30 ss:$0x1], $0xffff  }
0x126: {  	v3 =	vld.idx.msk [tilespmem:v0+s12+$0x70 ss:$0x1], $0xffff  }
0x127: {  	v4 =	vld.idx.msk [tilespmem:v0+s12+$0xB0 ss:$0x1], $0xffff  }
0x128: {  	v5 =	vld.idx.msk [tilespmem:v0+s12+$0xF0 ss:$0x1], $0xffff  }
0x129: {  	v6 =	vld.idx.msk [tilespmem:v0+s12+$0x130 ss:$0x1], $0xffff  }
0x12a: {  	v7 =	vld.idx.msk [tilespmem:v0+s12+$0x170 ss:$0x1], $0xffff  }
0x12b: {  	v1 =	vld.idx.msk [tilespmem:v0+s12+$0x1B0 ss:$0x1], $0xffff  }
0x12c: {  	[tilespmem:s12+$0xE830] =	vst.add.f32.msk $0xffff, v2  }
.Ltmp1:
0x12d: {  	[tilespmem:s12+$0xE870] =	vst.add.f32.msk $0xffff, v3;
	(pc) =	sbr.rel @p1 .LBB2_5-.Ltmp1, $4  }
0x12e: {  	[tilespmem:s12+$0xE8B0] =	vst.add.f32.msk $0xffff, v4  }
0x12f: {  	[tilespmem:s12+$0xE8F0] =	vst.add.f32.msk $0xffff, v5  }
0x130: {  	[tilespmem:s12+$0xE930] =	vst.add.f32.msk $0xffff, v6  }
0x131: {  	s16 =	sadd.s32 $0x800, s16;
	[tilespmem:s12+$0xE970] =	vst.add.f32.msk $0xffff, v7  }
0x132: {  	s13 =	sadd.s32 s6, s13  }
0x133: {  	s13 =	sshll.u32 s13, $0xB  }
0x134: {  	s13 =	sand.u32 $0x1FFFF800, s13  }
0x135: {  	[tilespmem:s12+$0xE9B0] =	vst.add.f32.msk $0xffff, v1;
	s16 =	simm.s32 $0xE800;
	s12 =	simm.s32 @!p0 $0x7;
	s14 =	sadd.s32 s5, s13  }
0x136: {  	[hbm4b:s14+s18] =	stream.strided.scatter [tilespmem:s16], [sflag:$0x7], $0x2000, s15, s18, $0x38;
	[tilespmem:$0x16800] =	vst v63  }
0x137: {  	_ =	swait.ge @!p0 [sflag:s12], $0x2000  }
0x138: {  	s13 =	simm.s32 @!p0 $0x80;
	[sflag:s12] =	ssyncset.done @!p0 $0x0  }
0x139: {  	v0 =	vmov s11;
	s14 =	simm.s32 @!p0 $0xE800;
	[sflag:s12] =	ssyncadd.s32 @!p0 $0xFFFFE000;
	s12 =	sadd.s32 @!p0 $0x300, s10  }
0x13a: {  	[tilespmem:s14], [sflag:$0x2] =	stream.indirect.gather @!p0 [hbm4b:s3+s13], $0x40, s12, s13, $0xb8;
	[tilespmem:$0x16800] =	vst v63  }
0x13b: {  	_ =	swait.ge [sflag:s20], $0x2000  }
0x13c: {  	[sflag:s20] =	ssyncset.done $0x0  }
0x13d: {  	s11 =	simm.s32 $0x0;
	[sflag:s20] =	ssyncadd.s32 $0xFFFFE000  }
0x13e: {  	v1 =	vld.idx.msk [tilespmem:v0+s11+$0x1C0 ss:$0x1], $0xffff  }
0x13f: {  	v2 =	vld.idx.msk [tilespmem:v0+s11+$0x0 ss:$0x1], $0xffff  }
0x140: {  	v3 =	vld.idx.msk [tilespmem:v0+s11+$0x40 ss:$0x1], $0xffff  }
0x141: {  	v4 =	vld.idx.msk [tilespmem:v0+s11+$0x80 ss:$0x1], $0xffff  }
0x142: {  	v5 =	vld.idx.msk [tilespmem:v0+s11+$0xC0 ss:$0x1], $0xffff  }
0x143: {  	v6 =	vld.idx.msk [tilespmem:v0+s11+$0x100 ss:$0x1], $0xffff  }
0x144: {  	v7 =	vld.idx.msk [tilespmem:v0+s11+$0x140 ss:$0x1], $0xffff  }
0x145: {  	v8 =	vld.idx.msk [tilespmem:v0+s11+$0x180 ss:$0x1], $0xffff  }
0x146: {  	[tilespmem:s11+$0x109C0] =	vst.add.f32.msk $0xffff, v1  }
0x147: {  	[tilespmem:s11+$0x10800] =	vst.add.f32.msk $0xffff, v2  }
0x148: {  	[tilespmem:s11+$0x10840] =	vst.add.f32.msk $0xffff, v3  }
0x149: {  	[tilespmem:s11+$0x10880] =	vst.add.f32.msk $0xffff, v4  }
0x14a: {  	[tilespmem:s11+$0x108C0] =	vst.add.f32.msk $0xffff, v5  }
0x14b: {  	[tilespmem:s11+$0x10900] =	vst.add.f32.msk $0xffff, v6  }
0x14c: {  	[tilespmem:s11+$0x10940] =	vst.add.f32.msk $0xffff, v7  }
0x14d: {  	[tilespmem:s11+$0x10980] =	vst.add.f32.msk $0xffff, v8  }
0x14e: {  	v1 =	vld.idx.msk [tilespmem:v0+s11+$0x1D0 ss:$0x1], $0xffff  }
0x14f: {  	v2 =	vld.idx.msk [tilespmem:v0+s11+$0x10 ss:$0x1], $0xffff  }
0x150: {  	v3 =	vld.idx.msk [tilespmem:v0+s11+$0x50 ss:$0x1], $0xffff  }
0x151: {  	v4 =	vld.idx.msk [tilespmem:v0+s11+$0x90 ss:$0x1], $0xffff  }
0x152: {  	v5 =	vld.idx.msk [tilespmem:v0+s11+$0xD0 ss:$0x1], $0xffff  }
0x153: {  	v6 =	vld.idx.msk [tilespmem:v0+s11+$0x110 ss:$0x1], $0xffff  }
0x154: {  	v7 =	vld.idx.msk [tilespmem:v0+s11+$0x150 ss:$0x1], $0xffff  }
0x155: {  	[tilespmem:s11+$0x109D0] =	vst.add.f32.msk $0xffff, v1  }
0x156: {  	[tilespmem:s11+$0x10810] =	vst.add.f32.msk $0xffff, v2  }
0x157: {  	[tilespmem:s11+$0x10850] =	vst.add.f32.msk $0xffff, v3  }
0x158: {  	[tilespmem:s11+$0x10890] =	vst.add.f32.msk $0xffff, v4  }
0x159: {  	[tilespmem:s11+$0x108D0] =	vst.add.f32.msk $0xffff, v5  }
0x15a: {  	[tilespmem:s11+$0x10910] =	vst.add.f32.msk $0xffff, v6  }
0x15b: {  	[tilespmem:s11+$0x10950] =	vst.add.f32.msk $0xffff, v7  }
0x15c: {  	v1 =	vld.idx.msk [tilespmem:v0+s11+$0x1E0 ss:$0x1], $0xffff  }
0x15d: {  	v2 =	vld.idx.msk [tilespmem:v0+s11+$0x60 ss:$0x1], $0xffff  }
0x15e: {  	v3 =	vld.idx.msk [tilespmem:v0+s11+$0xA0 ss:$0x1], $0xffff  }
0x15f: {  	v56 =	vld.idx.msk [tilespmem:v0+s11+$0xE0 ss:$0x1], $0xffff  }
0x160: {  	v57 =	vld.idx.msk [tilespmem:v0+s11+$0x120 ss:$0x1], $0xffff  }
0x161: {  	v58 =	vld.idx.msk [tilespmem:v0+s11+$0x160 ss:$0x1], $0xffff  }
0x162: {  	[tilespmem:s11+$0x109E0] =	vst.add.f32.msk $0xffff, v1  }
0x163: {  	[tilespmem:s11+$0x10860] =	vst.add.f32.msk $0xffff, v2  }
0x164: {  	v1 =	vld.idx.msk [tilespmem:v0+s11+$0x1F0 ss:$0x1], $0xffff  }
0x165: {  	[tilespmem:s11+$0x108A0] =	vst.add.f32.msk $0xffff, v3  }
0x166: {  	[tilespmem:s11+$0x108E0] =	vst.add.f32.msk $0xffff, v56  }
0x167: {  	[tilespmem:s11+$0x10920] =	vst.add.f32.msk $0xffff, v57  }
0x168: {  	[tilespmem:s11+$0x10960] =	vst.add.f32.msk $0xffff, v58  }
0x169: {  	[tilespmem:s11+$0x109F0] =	vst.add.f32.msk $0xffff, v1  }
0x16a: {  	v1 =	vld.idx.msk [tilespmem:v0+s11+$0x190 ss:$0x1], $0xffff  }
0x16b: {  	v3 =	vld.idx.msk [tilespmem:v0+s11+$0x70 ss:$0x1], $0xffff  }
0x16c: {  	v60 =	vld.idx.msk [tilespmem:v0+s11+$0xB0 ss:$0x1], $0xffff  }
0x16d: {  	v61 =	vld.idx.msk [tilespmem:v0+s11+$0xF0 ss:$0x1], $0xffff  }
0x16e: {  	v62 =	vld.idx.msk [tilespmem:v0+s11+$0x130 ss:$0x1], $0xffff  }
0x16f: {  	[tilespmem:s11+$0x10990] =	vst.add.f32.msk $0xffff, v1  }
0x170: {  	v1 =	vld.idx.msk [tilespmem:v0+s11+$0x20 ss:$0x1], $0xffff  }
0x171: {  	v59 =	vld.idx.msk [tilespmem:v0+s11+$0x1A0 ss:$0x1], $0xffff  }
0x172: {  	v63 =	vld.idx.msk [tilespmem:v0+s11+$0x170 ss:$0x1], $0xffff  }
0x173: {  	[tilespmem:s11+$0x10870] =	vst.add.f32.msk $0xffff, v3  }
0x174: {  	[tilespmem:s11+$0x108B0] =	vst.add.f32.msk $0xffff, v60  }
0x175: {  	[tilespmem:s11+$0x10820] =	vst.add.f32.msk $0xffff, v1  }
0x176: {  	[tilespmem:s11+$0x109A0] =	vst.add.f32.msk $0xffff, v59  }
0x177: {  	v2 =	vld.idx.msk [tilespmem:v0+s11+$0x30 ss:$0x1], $0xffff  }
0x178: {  	v1 =	vld.idx.msk [tilespmem:v0+s11+$0x1B0 ss:$0x1], $0xffff  }
0x179: {  	[tilespmem:s11+$0x108F0] =	vst.add.f32.msk $0xffff, v61  }
0x17a: {  	[tilespmem:s11+$0x10930] =	vst.add.f32.msk $0xffff, v62  }
0x17b: {  	[tilespmem:s11+$0x10970] =	vst.add.f32.msk $0xffff, v63  }
0x17c: {  	s12 =	sadd.s32 $0x2, s28;
	s13 =	simm.s32 $0x0;
	s14 =	simm.s32 $0x800;
	[tilespmem:s11+$0x10830] =	vst.add.f32.msk $0xffff, v2  }
.LBB2_7:
0x17d: {  	s13 =	sadd.s32 $0x8, s13;
	[tilespmem:s11+$0x109B0] =	vst.add.f32.msk $0xffff, v1;
	s11 =	sshra.s32 s14, $0x2  }
0x17e: {  	v1 =	vld.idx.msk [tilespmem:v0+s11+$0x1C0 ss:$0x1], $0xffff;
	p1 =	slt.u32 s13, $0x78  }
0x17f: {  	v2 =	vld.idx.msk [tilespmem:v0+s11+$0x0 ss:$0x1], $0xffff  }
0x180: {  	v3 =	vld.idx.msk [tilespmem:v0+s11+$0x40 ss:$0x1], $0xffff  }
0x181: {  	v4 =	vld.idx.msk [tilespmem:v0+s11+$0x80 ss:$0x1], $0xffff  }
0x182: {  	v5 =	vld.idx.msk [tilespmem:v0+s11+$0xC0 ss:$0x1], $0xffff  }
0x183: {  	v6 =	vld.idx.msk [tilespmem:v0+s11+$0x100 ss:$0x1], $0xffff  }
0x184: {  	[tilespmem:s11+$0x109C0] =	vst.add.f32.msk $0xffff, v1  }
0x185: {  	v1 =	vld.idx.msk [tilespmem:v0+s11+$0x1D0 ss:$0x1], $0xffff  }
0x186: {  	v7 =	vld.idx.msk [tilespmem:v0+s11+$0x140 ss:$0x1], $0xffff  }
0x187: {  	v8 =	vld.idx.msk [tilespmem:v0+s11+$0x180 ss:$0x1], $0xffff  }
0x188: {  	[tilespmem:s11+$0x10800] =	vst.add.f32.msk $0xffff, v2  }
0x189: {  	[tilespmem:s11+$0x10840] =	vst.add.f32.msk $0xffff, v3  }
0x18a: {  	[tilespmem:s11+$0x10880] =	vst.add.f32.msk $0xffff, v4  }
0x18b: {  	[tilespmem:s11+$0x109D0] =	vst.add.f32.msk $0xffff, v1  }
0x18c: {  	v1 =	vld.idx.msk [tilespmem:v0+s11+$0x1E0 ss:$0x1], $0xffff  }
0x18d: {  	[tilespmem:s11+$0x108C0] =	vst.add.f32.msk $0xffff, v5  }
0x18e: {  	[tilespmem:s11+$0x10900] =	vst.add.f32.msk $0xffff, v6  }
0x18f: {  	[tilespmem:s11+$0x10940] =	vst.add.f32.msk $0xffff, v7  }
0x190: {  	[tilespmem:s11+$0x10980] =	vst.add.f32.msk $0xffff, v8  }
0x191: {  	v2 =	vld.idx.msk [tilespmem:v0+s11+$0x10 ss:$0x1], $0xffff  }
0x192: {  	[tilespmem:s11+$0x109E0] =	vst.add.f32.msk $0xffff, v1  }
0x193: {  	v1 =	vld.idx.msk [tilespmem:v0+s11+$0x1F0 ss:$0x1], $0xffff  }
0x194: {  	v3 =	vld.idx.msk [tilespmem:v0+s11+$0x50 ss:$0x1], $0xffff  }
0x195: {  	v4 =	vld.idx.msk [tilespmem:v0+s11+$0x90 ss:$0x1], $0xffff  }
0x196: {  	v5 =	vld.idx.msk [tilespmem:v0+s11+$0xD0 ss:$0x1], $0xffff  }
0x197: {  	v6 =	vld.idx.msk [tilespmem:v0+s11+$0x110 ss:$0x1], $0xffff  }
0x198: {  	v7 =	vld.idx.msk [tilespmem:v0+s11+$0x150 ss:$0x1], $0xffff  }
0x199: {  	[tilespmem:s11+$0x109F0] =	vst.add.f32.msk $0xffff, v1  }
0x19a: {  	v1 =	vld.idx.msk [tilespmem:v0+s11+$0x190 ss:$0x1], $0xffff  }
0x19b: {  	[tilespmem:s11+$0x10810] =	vst.add.f32.msk $0xffff, v2  }
0x19c: {  	[tilespmem:s11+$0x10850] =	vst.add.f32.msk $0xffff, v3  }
0x19d: {  	[tilespmem:s11+$0x10890] =	vst.add.f32.msk $0xffff, v4  }
0x19e: {  	[tilespmem:s11+$0x108D0] =	vst.add.f32.msk $0xffff, v5  }
0x19f: {  	[tilespmem:s11+$0x10910] =	vst.add.f32.msk $0xffff, v6  }
0x1a0: {  	[tilespmem:s11+$0x10950] =	vst.add.f32.msk $0xffff, v7  }
0x1a1: {  	[tilespmem:s11+$0x10990] =	vst.add.f32.msk $0xffff, v1  }
0x1a2: {  	v1 =	vld.idx.msk [tilespmem:v0+s11+$0x20 ss:$0x1], $0xffff  }
0x1a3: {  	v2 =	vld.idx.msk [tilespmem:v0+s11+$0x60 ss:$0x1], $0xffff  }
0x1a4: {  	v3 =	vld.idx.msk [tilespmem:v0+s11+$0xA0 ss:$0x1], $0xffff  }
0x1a5: {  	v4 =	vld.idx.msk [tilespmem:v0+s11+$0xE0 ss:$0x1], $0xffff  }
0x1a6: {  	v5 =	vld.idx.msk [tilespmem:v0+s11+$0x120 ss:$0x1], $0xffff  }
0x1a7: {  	v6 =	vld.idx.msk [tilespmem:v0+s11+$0x160 ss:$0x1], $0xffff  }
0x1a8: {  	v7 =	vld.idx.msk [tilespmem:v0+s11+$0x1A0 ss:$0x1], $0xffff  }
0x1a9: {  	[tilespmem:s11+$0x10820] =	vst.add.f32.msk $0xffff, v1  }
0x1aa: {  	[tilespmem:s11+$0x10860] =	vst.add.f32.msk $0xffff, v2  }
0x1ab: {  	[tilespmem:s11+$0x108A0] =	vst.add.f32.msk $0xffff, v3  }
0x1ac: {  	[tilespmem:s11+$0x108E0] =	vst.add.f32.msk $0xffff, v4  }
0x1ad: {  	[tilespmem:s11+$0x10920] =	vst.add.f32.msk $0xffff, v5  }
0x1ae: {  	[tilespmem:s11+$0x10960] =	vst.add.f32.msk $0xffff, v6  }
0x1af: {  	[tilespmem:s11+$0x109A0] =	vst.add.f32.msk $0xffff, v7  }
0x1b0: {  	v2 =	vld.idx.msk [tilespmem:v0+s11+$0x30 ss:$0x1], $0xffff  }
0x1b1: {  	v3 =	vld.idx.msk [tilespmem:v0+s11+$0x70 ss:$0x1], $0xffff  }
0x1b2: {  	v4 =	vld.idx.msk [tilespmem:v0+s11+$0xB0 ss:$0x1], $0xffff  }
0x1b3: {  	v5 =	vld.idx.msk [tilespmem:v0+s11+$0xF0 ss:$0x1], $0xffff  }
0x1b4: {  	v6 =	vld.idx.msk [tilespmem:v0+s11+$0x130 ss:$0x1], $0xffff  }
0x1b5: {  	v7 =	vld.idx.msk [tilespmem:v0+s11+$0x170 ss:$0x1], $0xffff  }
0x1b6: {  	v1 =	vld.idx.msk [tilespmem:v0+s11+$0x1B0 ss:$0x1], $0xffff  }
0x1b7: {  	[tilespmem:s11+$0x10830] =	vst.add.f32.msk $0xffff, v2  }
.Ltmp2:
0x1b8: {  	[tilespmem:s11+$0x10870] =	vst.add.f32.msk $0xffff, v3;
	(pc) =	sbr.rel @p1 .LBB2_7-.Ltmp2, $4  }
0x1b9: {  	[tilespmem:s11+$0x108B0] =	vst.add.f32.msk $0xffff, v4  }
0x1ba: {  	[tilespmem:s11+$0x108F0] =	vst.add.f32.msk $0xffff, v5  }
0x1bb: {  	[tilespmem:s11+$0x10930] =	vst.add.f32.msk $0xffff, v6  }
0x1bc: {  	s14 =	sadd.s32 $0x800, s14;
	[tilespmem:s11+$0x10970] =	vst.add.f32.msk $0xffff, v7  }
0x1bd: {  	s12 =	sadd.s32 s6, s12  }
0x1be: {  	s12 =	sshll.u32 s12, $0xB  }
0x1bf: {  	s12 =	sand.u32 $0x1FFFF800, s12  }
0x1c0: {  	[tilespmem:s11+$0x109B0] =	vst.add.f32.msk $0xffff, v1;
	s16 =	simm.s32 $0x10800;
	s11 =	simm.s32 @!p0 $0x8;
	s14 =	sadd.s32 s5, s12  }
0x1c1: {  	[hbm4b:s14+s18] =	stream.strided.scatter [tilespmem:s16], [sflag:$0x8], $0x2000, s15, s18, $0x38;
	[tilespmem:$0x16800] =	vst v63  }
0x1c2: {  	_ =	swait.ge @!p0 [sflag:s11], $0x2000  }
0x1c3: {  	s13 =	simm.s32 @!p0 $0x10800;
	[sflag:s11] =	ssyncset.done @!p0 $0x0  }
0x1c4: {  	v0 =	vmov s29;
	s12 =	simm.s32 @!p0 $0x80;
	[sflag:s11] =	ssyncadd.s32 @!p0 $0xFFFFE000;
	s11 =	sadd.s32 @!p0 $0x380, s10  }
0x1c5: {  	[tilespmem:s13], [sflag:$0x3] =	stream.indirect.gather @!p0 [hbm4b:s3+s12], $0x40, s11, s12, $0xb8;
	[tilespmem:$0x16800] =	vst v63  }
0x1c6: {  	_ =	swait.ge [sflag:s21], $0x2000  }
0x1c7: {  	[sflag:s21] =	ssyncset.done $0x0  }
0x1c8: {  	s11 =	simm.s32 $0x0;
	[sflag:s21] =	ssyncadd.s32 $0xFFFFE000  }
0x1c9: {  	v1 =	vld.idx.msk [tilespmem:v0+s11+$0x1C0 ss:$0x1], $0xffff  }
0x1ca: {  	v2 =	vld.idx.msk [tilespmem:v0+s11+$0x0 ss:$0x1], $0xffff  }
0x1cb: {  	v3 =	vld.idx.msk [tilespmem:v0+s11+$0x40 ss:$0x1], $0xffff  }
0x1cc: {  	v4 =	vld.idx.msk [tilespmem:v0+s11+$0x80 ss:$0x1], $0xffff  }
0x1cd: {  	v5 =	vld.idx.msk [tilespmem:v0+s11+$0xC0 ss:$0x1], $0xffff  }
0x1ce: {  	v6 =	vld.idx.msk [tilespmem:v0+s11+$0x100 ss:$0x1], $0xffff  }
0x1cf: {  	v7 =	vld.idx.msk [tilespmem:v0+s11+$0x140 ss:$0x1], $0xffff  }
0x1d0: {  	v8 =	vld.idx.msk [tilespmem:v0+s11+$0x180 ss:$0x1], $0xffff  }
0x1d1: {  	[tilespmem:s11+$0x129C0] =	vst.add.f32.msk $0xffff, v1  }
0x1d2: {  	[tilespmem:s11+$0x12800] =	vst.add.f32.msk $0xffff, v2  }
0x1d3: {  	[tilespmem:s11+$0x12840] =	vst.add.f32.msk $0xffff, v3  }
0x1d4: {  	[tilespmem:s11+$0x12880] =	vst.add.f32.msk $0xffff, v4  }
0x1d5: {  	[tilespmem:s11+$0x128C0] =	vst.add.f32.msk $0xffff, v5  }
0x1d6: {  	[tilespmem:s11+$0x12900] =	vst.add.f32.msk $0xffff, v6  }
0x1d7: {  	[tilespmem:s11+$0x12940] =	vst.add.f32.msk $0xffff, v7  }
0x1d8: {  	[tilespmem:s11+$0x12980] =	vst.add.f32.msk $0xffff, v8  }
0x1d9: {  	v1 =	vld.idx.msk [tilespmem:v0+s11+$0x1D0 ss:$0x1], $0xffff  }
0x1da: {  	v2 =	vld.idx.msk [tilespmem:v0+s11+$0x10 ss:$0x1], $0xffff  }
0x1db: {  	v3 =	vld.idx.msk [tilespmem:v0+s11+$0x50 ss:$0x1], $0xffff  }
0x1dc: {  	v4 =	vld.idx.msk [tilespmem:v0+s11+$0x90 ss:$0x1], $0xffff  }
0x1dd: {  	v5 =	vld.idx.msk [tilespmem:v0+s11+$0xD0 ss:$0x1], $0xffff  }
0x1de: {  	v6 =	vld.idx.msk [tilespmem:v0+s11+$0x110 ss:$0x1], $0xffff  }
0x1df: {  	v7 =	vld.idx.msk [tilespmem:v0+s11+$0x150 ss:$0x1], $0xffff  }
0x1e0: {  	[tilespmem:s11+$0x129D0] =	vst.add.f32.msk $0xffff, v1  }
0x1e1: {  	[tilespmem:s11+$0x12810] =	vst.add.f32.msk $0xffff, v2  }
0x1e2: {  	[tilespmem:s11+$0x12850] =	vst.add.f32.msk $0xffff, v3  }
0x1e3: {  	[tilespmem:s11+$0x12890] =	vst.add.f32.msk $0xffff, v4  }
0x1e4: {  	[tilespmem:s11+$0x128D0] =	vst.add.f32.msk $0xffff, v5  }
0x1e5: {  	[tilespmem:s11+$0x12910] =	vst.add.f32.msk $0xffff, v6  }
0x1e6: {  	[tilespmem:s11+$0x12950] =	vst.add.f32.msk $0xffff, v7  }
0x1e7: {  	v1 =	vld.idx.msk [tilespmem:v0+s11+$0x1E0 ss:$0x1], $0xffff  }
0x1e8: {  	v2 =	vld.idx.msk [tilespmem:v0+s11+$0x60 ss:$0x1], $0xffff  }
0x1e9: {  	v3 =	vld.idx.msk [tilespmem:v0+s11+$0xA0 ss:$0x1], $0xffff  }
0x1ea: {  	v56 =	vld.idx.msk [tilespmem:v0+s11+$0xE0 ss:$0x1], $0xffff  }
0x1eb: {  	v57 =	vld.idx.msk [tilespmem:v0+s11+$0x120 ss:$0x1], $0xffff  }
0x1ec: {  	v58 =	vld.idx.msk [tilespmem:v0+s11+$0x160 ss:$0x1], $0xffff  }
0x1ed: {  	[tilespmem:s11+$0x129E0] =	vst.add.f32.msk $0xffff, v1  }
0x1ee: {  	[tilespmem:s11+$0x12860] =	vst.add.f32.msk $0xffff, v2  }
0x1ef: {  	v1 =	vld.idx.msk [tilespmem:v0+s11+$0x1F0 ss:$0x1], $0xffff  }
0x1f0: {  	[tilespmem:s11+$0x128A0] =	vst.add.f32.msk $0xffff, v3  }
0x1f1: {  	[tilespmem:s11+$0x128E0] =	vst.add.f32.msk $0xffff, v56  }
0x1f2: {  	[tilespmem:s11+$0x12920] =	vst.add.f32.msk $0xffff, v57  }
0x1f3: {  	[tilespmem:s11+$0x12960] =	vst.add.f32.msk $0xffff, v58  }
0x1f4: {  	[tilespmem:s11+$0x129F0] =	vst.add.f32.msk $0xffff, v1  }
0x1f5: {  	v1 =	vld.idx.msk [tilespmem:v0+s11+$0x190 ss:$0x1], $0xffff  }
0x1f6: {  	v3 =	vld.idx.msk [tilespmem:v0+s11+$0x70 ss:$0x1], $0xffff  }
0x1f7: {  	v60 =	vld.idx.msk [tilespmem:v0+s11+$0xB0 ss:$0x1], $0xffff  }
0x1f8: {  	v61 =	vld.idx.msk [tilespmem:v0+s11+$0xF0 ss:$0x1], $0xffff  }
0x1f9: {  	v62 =	vld.idx.msk [tilespmem:v0+s11+$0x130 ss:$0x1], $0xffff  }
0x1fa: {  	[tilespmem:s11+$0x12990] =	vst.add.f32.msk $0xffff, v1  }
0x1fb: {  	v1 =	vld.idx.msk [tilespmem:v0+s11+$0x20 ss:$0x1], $0xffff  }
0x1fc: {  	v59 =	vld.idx.msk [tilespmem:v0+s11+$0x1A0 ss:$0x1], $0xffff  }
0x1fd: {  	v63 =	vld.idx.msk [tilespmem:v0+s11+$0x170 ss:$0x1], $0xffff  }
0x1fe: {  	[tilespmem:s11+$0x12870] =	vst.add.f32.msk $0xffff, v3  }
0x1ff: {  	[tilespmem:s11+$0x128B0] =	vst.add.f32.msk $0xffff, v60  }
0x200: {  	[tilespmem:s11+$0x12820] =	vst.add.f32.msk $0xffff, v1  }
0x201: {  	[tilespmem:s11+$0x129A0] =	vst.add.f32.msk $0xffff, v59  }
0x202: {  	v2 =	vld.idx.msk [tilespmem:v0+s11+$0x30 ss:$0x1], $0xffff  }
0x203: {  	v1 =	vld.idx.msk [tilespmem:v0+s11+$0x1B0 ss:$0x1], $0xffff  }
0x204: {  	[tilespmem:s11+$0x128F0] =	vst.add.f32.msk $0xffff, v61  }
0x205: {  	[tilespmem:s11+$0x12930] =	vst.add.f32.msk $0xffff, v62  }
0x206: {  	[tilespmem:s11+$0x12970] =	vst.add.f32.msk $0xffff, v63  }
0x207: {  	s14 =	simm.s32 $0x800;
	s12 =	sadd.s32 $0x3, s28;
	s13 =	simm.s32 $0x0;
	[tilespmem:s11+$0x12830] =	vst.add.f32.msk $0xffff, v2  }
.LBB2_9:
0x208: {  	s13 =	sadd.s32 $0x8, s13;
	[tilespmem:s11+$0x129B0] =	vst.add.f32.msk $0xffff, v1;
	s11 =	sshra.s32 s14, $0x2  }
0x209: {  	v1 =	vld.idx.msk [tilespmem:v0+s11+$0x1C0 ss:$0x1], $0xffff;
	p1 =	slt.u32 s13, $0x78  }
0x20a: {  	v2 =	vld.idx.msk [tilespmem:v0+s11+$0x0 ss:$0x1], $0xffff  }
0x20b: {  	v3 =	vld.idx.msk [tilespmem:v0+s11+$0x40 ss:$0x1], $0xffff  }
0x20c: {  	v4 =	vld.idx.msk [tilespmem:v0+s11+$0x80 ss:$0x1], $0xffff  }
0x20d: {  	v5 =	vld.idx.msk [tilespmem:v0+s11+$0xC0 ss:$0x1], $0xffff  }
0x20e: {  	v6 =	vld.idx.msk [tilespmem:v0+s11+$0x100 ss:$0x1], $0xffff  }
0x20f: {  	[tilespmem:s11+$0x129C0] =	vst.add.f32.msk $0xffff, v1  }
0x210: {  	v1 =	vld.idx.msk [tilespmem:v0+s11+$0x1D0 ss:$0x1], $0xffff  }
0x211: {  	v7 =	vld.idx.msk [tilespmem:v0+s11+$0x140 ss:$0x1], $0xffff  }
0x212: {  	v8 =	vld.idx.msk [tilespmem:v0+s11+$0x180 ss:$0x1], $0xffff  }
0x213: {  	[tilespmem:s11+$0x12800] =	vst.add.f32.msk $0xffff, v2  }
0x214: {  	[tilespmem:s11+$0x12840] =	vst.add.f32.msk $0xffff, v3  }
0x215: {  	[tilespmem:s11+$0x12880] =	vst.add.f32.msk $0xffff, v4  }
0x216: {  	[tilespmem:s11+$0x129D0] =	vst.add.f32.msk $0xffff, v1  }
0x217: {  	v1 =	vld.idx.msk [tilespmem:v0+s11+$0x1E0 ss:$0x1], $0xffff  }
0x218: {  	[tilespmem:s11+$0x128C0] =	vst.add.f32.msk $0xffff, v5  }
0x219: {  	[tilespmem:s11+$0x12900] =	vst.add.f32.msk $0xffff, v6  }
0x21a: {  	[tilespmem:s11+$0x12940] =	vst.add.f32.msk $0xffff, v7  }
0x21b: {  	[tilespmem:s11+$0x12980] =	vst.add.f32.msk $0xffff, v8  }
0x21c: {  	v2 =	vld.idx.msk [tilespmem:v0+s11+$0x10 ss:$0x1], $0xffff  }
0x21d: {  	[tilespmem:s11+$0x129E0] =	vst.add.f32.msk $0xffff, v1  }
0x21e: {  	v1 =	vld.idx.msk [tilespmem:v0+s11+$0x1F0 ss:$0x1], $0xffff  }
0x21f: {  	v3 =	vld.idx.msk [tilespmem:v0+s11+$0x50 ss:$0x1], $0xffff  }
0x220: {  	v4 =	vld.idx.msk [tilespmem:v0+s11+$0x90 ss:$0x1], $0xffff  }
0x221: {  	v5 =	vld.idx.msk [tilespmem:v0+s11+$0xD0 ss:$0x1], $0xffff  }
0x222: {  	v6 =	vld.idx.msk [tilespmem:v0+s11+$0x110 ss:$0x1], $0xffff  }
0x223: {  	v7 =	vld.idx.msk [tilespmem:v0+s11+$0x150 ss:$0x1], $0xffff  }
0x224: {  	[tilespmem:s11+$0x129F0] =	vst.add.f32.msk $0xffff, v1  }
0x225: {  	v1 =	vld.idx.msk [tilespmem:v0+s11+$0x190 ss:$0x1], $0xffff  }
0x226: {  	[tilespmem:s11+$0x12810] =	vst.add.f32.msk $0xffff, v2  }
0x227: {  	[tilespmem:s11+$0x12850] =	vst.add.f32.msk $0xffff, v3  }
0x228: {  	[tilespmem:s11+$0x12890] =	vst.add.f32.msk $0xffff, v4  }
0x229: {  	[tilespmem:s11+$0x128D0] =	vst.add.f32.msk $0xffff, v5  }
0x22a: {  	[tilespmem:s11+$0x12910] =	vst.add.f32.msk $0xffff, v6  }
0x22b: {  	[tilespmem:s11+$0x12950] =	vst.add.f32.msk $0xffff, v7  }
0x22c: {  	[tilespmem:s11+$0x12990] =	vst.add.f32.msk $0xffff, v1  }
0x22d: {  	v1 =	vld.idx.msk [tilespmem:v0+s11+$0x20 ss:$0x1], $0xffff  }
0x22e: {  	v2 =	vld.idx.msk [tilespmem:v0+s11+$0x60 ss:$0x1], $0xffff  }
0x22f: {  	v3 =	vld.idx.msk [tilespmem:v0+s11+$0xA0 ss:$0x1], $0xffff  }
0x230: {  	v4 =	vld.idx.msk [tilespmem:v0+s11+$0xE0 ss:$0x1], $0xffff  }
0x231: {  	v5 =	vld.idx.msk [tilespmem:v0+s11+$0x120 ss:$0x1], $0xffff  }
0x232: {  	v6 =	vld.idx.msk [tilespmem:v0+s11+$0x160 ss:$0x1], $0xffff  }
0x233: {  	v7 =	vld.idx.msk [tilespmem:v0+s11+$0x1A0 ss:$0x1], $0xffff  }
0x234: {  	[tilespmem:s11+$0x12820] =	vst.add.f32.msk $0xffff, v1  }
0x235: {  	[tilespmem:s11+$0x12860] =	vst.add.f32.msk $0xffff, v2  }
0x236: {  	[tilespmem:s11+$0x128A0] =	vst.add.f32.msk $0xffff, v3  }
0x237: {  	[tilespmem:s11+$0x128E0] =	vst.add.f32.msk $0xffff, v4  }
0x238: {  	[tilespmem:s11+$0x12920] =	vst.add.f32.msk $0xffff, v5  }
0x239: {  	[tilespmem:s11+$0x12960] =	vst.add.f32.msk $0xffff, v6  }
0x23a: {  	[tilespmem:s11+$0x129A0] =	vst.add.f32.msk $0xffff, v7  }
0x23b: {  	v2 =	vld.idx.msk [tilespmem:v0+s11+$0x30 ss:$0x1], $0xffff  }
0x23c: {  	v3 =	vld.idx.msk [tilespmem:v0+s11+$0x70 ss:$0x1], $0xffff  }
0x23d: {  	v4 =	vld.idx.msk [tilespmem:v0+s11+$0xB0 ss:$0x1], $0xffff  }
0x23e: {  	v5 =	vld.idx.msk [tilespmem:v0+s11+$0xF0 ss:$0x1], $0xffff  }
0x23f: {  	v6 =	vld.idx.msk [tilespmem:v0+s11+$0x130 ss:$0x1], $0xffff  }
0x240: {  	v7 =	vld.idx.msk [tilespmem:v0+s11+$0x170 ss:$0x1], $0xffff  }
0x241: {  	v1 =	vld.idx.msk [tilespmem:v0+s11+$0x1B0 ss:$0x1], $0xffff  }
0x242: {  	[tilespmem:s11+$0x12830] =	vst.add.f32.msk $0xffff, v2  }
.Ltmp3:
0x243: {  	[tilespmem:s11+$0x12870] =	vst.add.f32.msk $0xffff, v3;
	(pc) =	sbr.rel @p1 .LBB2_9-.Ltmp3, $4  }
0x244: {  	[tilespmem:s11+$0x128B0] =	vst.add.f32.msk $0xffff, v4  }
0x245: {  	[tilespmem:s11+$0x128F0] =	vst.add.f32.msk $0xffff, v5  }
0x246: {  	[tilespmem:s11+$0x12930] =	vst.add.f32.msk $0xffff, v6  }
0x247: {  	s14 =	sadd.s32 $0x800, s14;
	[tilespmem:s11+$0x12970] =	vst.add.f32.msk $0xffff, v7  }
0x248: {  	s12 =	sadd.s32 s6, s12  }
0x249: {  	s12 =	sshll.u32 s12, $0xB  }
0x24a: {  	s12 =	sand.u32 $0x1FFFF800, s12  }
0x24b: {  	[tilespmem:s11+$0x129B0] =	vst.add.f32.msk $0xffff, v1;
	s29 =	simm.s32 $0x12800;
	s11 =	simm.s32 @!p0 $0x9;
	s28 =	sadd.s32 s5, s12  }
0x24c: {  	[hbm4b:s28+s18] =	stream.strided.scatter [tilespmem:s29], [sflag:$0x9], $0x2000, s15, s18, $0x38;
	[tilespmem:$0x16800] =	vst v63  }
0x24d: {  	_ =	swait.ge @!p0 [sflag:s11], $0x2000  }
0x24e: {  	s10 =	sadd.s32 @!p0 $0x400, s10;
	[sflag:s11] =	ssyncset.done @!p0 $0x0  }
0x24f: {  	v0 =	vmov s26;
	s12 =	simm.s32 @!p0 $0x12800;
	[sflag:s11] =	ssyncadd.s32 @!p0 $0xFFFFE000;
	s11 =	simm.s32 @!p0 $0x80  }
0x250: {  	[tilespmem:s12], [sflag:$0x4] =	stream.indirect.gather @!p0 [hbm4b:s3+s11], $0x40, s10, s11, $0xb8;
	[tilespmem:$0x16800] =	vst v63  }
0x251: {  	_ =	swait.ge [sflag:s22], $0x2000  }
0x252: {  	[sflag:s22] =	ssyncset.done $0x0  }
0x253: {  	s10 =	simm.s32 $0x0;
	[sflag:s22] =	ssyncadd.s32 $0xFFFFE000  }
0x254: {  	v1 =	vld.idx.msk [tilespmem:v0+s10+$0x1C0 ss:$0x1], $0xffff  }
0x255: {  	v2 =	vld.idx.msk [tilespmem:v0+s10+$0x0 ss:$0x1], $0xffff  }
0x256: {  	v3 =	vld.idx.msk [tilespmem:v0+s10+$0x40 ss:$0x1], $0xffff  }
0x257: {  	v4 =	vld.idx.msk [tilespmem:v0+s10+$0x80 ss:$0x1], $0xffff  }
0x258: {  	v5 =	vld.idx.msk [tilespmem:v0+s10+$0xC0 ss:$0x1], $0xffff  }
0x259: {  	v6 =	vld.idx.msk [tilespmem:v0+s10+$0x100 ss:$0x1], $0xffff  }
0x25a: {  	v7 =	vld.idx.msk [tilespmem:v0+s10+$0x140 ss:$0x1], $0xffff  }
0x25b: {  	v8 =	vld.idx.msk [tilespmem:v0+s10+$0x180 ss:$0x1], $0xffff  }
0x25c: {  	[tilespmem:s10+$0x149C0] =	vst.add.f32.msk $0xffff, v1  }
0x25d: {  	[tilespmem:s10+$0x14800] =	vst.add.f32.msk $0xffff, v2  }
0x25e: {  	[tilespmem:s10+$0x14840] =	vst.add.f32.msk $0xffff, v3  }
0x25f: {  	[tilespmem:s10+$0x14880] =	vst.add.f32.msk $0xffff, v4  }
0x260: {  	[tilespmem:s10+$0x148C0] =	vst.add.f32.msk $0xffff, v5  }
0x261: {  	[tilespmem:s10+$0x14900] =	vst.add.f32.msk $0xffff, v6  }
0x262: {  	[tilespmem:s10+$0x14940] =	vst.add.f32.msk $0xffff, v7  }
0x263: {  	[tilespmem:s10+$0x14980] =	vst.add.f32.msk $0xffff, v8  }
0x264: {  	v1 =	vld.idx.msk [tilespmem:v0+s10+$0x1D0 ss:$0x1], $0xffff  }
0x265: {  	v2 =	vld.idx.msk [tilespmem:v0+s10+$0x10 ss:$0x1], $0xffff  }
0x266: {  	v3 =	vld.idx.msk [tilespmem:v0+s10+$0x50 ss:$0x1], $0xffff  }
0x267: {  	v4 =	vld.idx.msk [tilespmem:v0+s10+$0x90 ss:$0x1], $0xffff  }
0x268: {  	v5 =	vld.idx.msk [tilespmem:v0+s10+$0xD0 ss:$0x1], $0xffff  }
0x269: {  	v6 =	vld.idx.msk [tilespmem:v0+s10+$0x110 ss:$0x1], $0xffff  }
0x26a: {  	v7 =	vld.idx.msk [tilespmem:v0+s10+$0x150 ss:$0x1], $0xffff  }
0x26b: {  	[tilespmem:s10+$0x149D0] =	vst.add.f32.msk $0xffff, v1  }
0x26c: {  	[tilespmem:s10+$0x14810] =	vst.add.f32.msk $0xffff, v2  }
0x26d: {  	[tilespmem:s10+$0x14850] =	vst.add.f32.msk $0xffff, v3  }
0x26e: {  	[tilespmem:s10+$0x14890] =	vst.add.f32.msk $0xffff, v4  }
0x26f: {  	[tilespmem:s10+$0x148D0] =	vst.add.f32.msk $0xffff, v5  }
0x270: {  	[tilespmem:s10+$0x14910] =	vst.add.f32.msk $0xffff, v6  }
0x271: {  	[tilespmem:s10+$0x14950] =	vst.add.f32.msk $0xffff, v7  }
0x272: {  	v1 =	vld.idx.msk [tilespmem:v0+s10+$0x1E0 ss:$0x1], $0xffff  }
0x273: {  	v2 =	vld.idx.msk [tilespmem:v0+s10+$0x60 ss:$0x1], $0xffff  }
0x274: {  	v3 =	vld.idx.msk [tilespmem:v0+s10+$0xA0 ss:$0x1], $0xffff  }
0x275: {  	v56 =	vld.idx.msk [tilespmem:v0+s10+$0xE0 ss:$0x1], $0xffff  }
0x276: {  	v57 =	vld.idx.msk [tilespmem:v0+s10+$0x120 ss:$0x1], $0xffff  }
0x277: {  	v58 =	vld.idx.msk [tilespmem:v0+s10+$0x160 ss:$0x1], $0xffff  }
0x278: {  	[tilespmem:s10+$0x149E0] =	vst.add.f32.msk $0xffff, v1  }
0x279: {  	[tilespmem:s10+$0x14860] =	vst.add.f32.msk $0xffff, v2  }
0x27a: {  	v1 =	vld.idx.msk [tilespmem:v0+s10+$0x1F0 ss:$0x1], $0xffff  }
0x27b: {  	[tilespmem:s10+$0x148A0] =	vst.add.f32.msk $0xffff, v3  }
0x27c: {  	[tilespmem:s10+$0x148E0] =	vst.add.f32.msk $0xffff, v56  }
0x27d: {  	[tilespmem:s10+$0x14920] =	vst.add.f32.msk $0xffff, v57  }
0x27e: {  	[tilespmem:s10+$0x14960] =	vst.add.f32.msk $0xffff, v58  }
0x27f: {  	[tilespmem:s10+$0x149F0] =	vst.add.f32.msk $0xffff, v1  }
0x280: {  	v1 =	vld.idx.msk [tilespmem:v0+s10+$0x190 ss:$0x1], $0xffff  }
0x281: {  	v3 =	vld.idx.msk [tilespmem:v0+s10+$0x70 ss:$0x1], $0xffff  }
0x282: {  	v60 =	vld.idx.msk [tilespmem:v0+s10+$0xB0 ss:$0x1], $0xffff  }
0x283: {  	v61 =	vld.idx.msk [tilespmem:v0+s10+$0xF0 ss:$0x1], $0xffff  }
0x284: {  	v62 =	vld.idx.msk [tilespmem:v0+s10+$0x130 ss:$0x1], $0xffff  }
0x285: {  	[tilespmem:s10+$0x14990] =	vst.add.f32.msk $0xffff, v1  }
0x286: {  	v1 =	vld.idx.msk [tilespmem:v0+s10+$0x20 ss:$0x1], $0xffff  }
0x287: {  	v59 =	vld.idx.msk [tilespmem:v0+s10+$0x1A0 ss:$0x1], $0xffff  }
0x288: {  	v63 =	vld.idx.msk [tilespmem:v0+s10+$0x170 ss:$0x1], $0xffff  }
0x289: {  	[tilespmem:s10+$0x14870] =	vst.add.f32.msk $0xffff, v3  }
0x28a: {  	[tilespmem:s10+$0x148B0] =	vst.add.f32.msk $0xffff, v60  }
0x28b: {  	[tilespmem:s10+$0x14820] =	vst.add.f32.msk $0xffff, v1  }
0x28c: {  	[tilespmem:s10+$0x149A0] =	vst.add.f32.msk $0xffff, v59  }
0x28d: {  	v2 =	vld.idx.msk [tilespmem:v0+s10+$0x30 ss:$0x1], $0xffff  }
0x28e: {  	v1 =	vld.idx.msk [tilespmem:v0+s10+$0x1B0 ss:$0x1], $0xffff  }
0x28f: {  	[tilespmem:s10+$0x148F0] =	vst.add.f32.msk $0xffff, v61  }
0x290: {  	[tilespmem:s10+$0x14930] =	vst.add.f32.msk $0xffff, v62  }
0x291: {  	[tilespmem:s10+$0x14970] =	vst.add.f32.msk $0xffff, v63  }
0x292: {  	s11 =	simm.s32 $0x0;
	s12 =	simm.s32 $0x800;
	[tilespmem:s10+$0x14830] =	vst.add.f32.msk $0xffff, v2  }
.LBB2_11:
0x293: {  	s11 =	sadd.s32 $0x8, s11;
	[tilespmem:s10+$0x149B0] =	vst.add.f32.msk $0xffff, v1;
	s10 =	sshra.s32 s12, $0x2  }
0x294: {  	v1 =	vld.idx.msk [tilespmem:v0+s10+$0x1C0 ss:$0x1], $0xffff;
	p0 =	slt.u32 s11, $0x78  }
0x295: {  	v2 =	vld.idx.msk [tilespmem:v0+s10+$0x0 ss:$0x1], $0xffff  }
0x296: {  	v3 =	vld.idx.msk [tilespmem:v0+s10+$0x40 ss:$0x1], $0xffff  }
0x297: {  	v4 =	vld.idx.msk [tilespmem:v0+s10+$0x80 ss:$0x1], $0xffff  }
0x298: {  	v5 =	vld.idx.msk [tilespmem:v0+s10+$0xC0 ss:$0x1], $0xffff  }
0x299: {  	v6 =	vld.idx.msk [tilespmem:v0+s10+$0x100 ss:$0x1], $0xffff  }
0x29a: {  	[tilespmem:s10+$0x149C0] =	vst.add.f32.msk $0xffff, v1  }
0x29b: {  	v1 =	vld.idx.msk [tilespmem:v0+s10+$0x1D0 ss:$0x1], $0xffff  }
0x29c: {  	v7 =	vld.idx.msk [tilespmem:v0+s10+$0x140 ss:$0x1], $0xffff  }
0x29d: {  	v8 =	vld.idx.msk [tilespmem:v0+s10+$0x180 ss:$0x1], $0xffff  }
0x29e: {  	[tilespmem:s10+$0x14800] =	vst.add.f32.msk $0xffff, v2  }
0x29f: {  	[tilespmem:s10+$0x14840] =	vst.add.f32.msk $0xffff, v3  }
0x2a0: {  	[tilespmem:s10+$0x14880] =	vst.add.f32.msk $0xffff, v4  }
0x2a1: {  	[tilespmem:s10+$0x149D0] =	vst.add.f32.msk $0xffff, v1  }
0x2a2: {  	v1 =	vld.idx.msk [tilespmem:v0+s10+$0x1E0 ss:$0x1], $0xffff  }
0x2a3: {  	[tilespmem:s10+$0x148C0] =	vst.add.f32.msk $0xffff, v5  }
0x2a4: {  	[tilespmem:s10+$0x14900] =	vst.add.f32.msk $0xffff, v6  }
0x2a5: {  	[tilespmem:s10+$0x14940] =	vst.add.f32.msk $0xffff, v7  }
0x2a6: {  	[tilespmem:s10+$0x14980] =	vst.add.f32.msk $0xffff, v8  }
0x2a7: {  	v2 =	vld.idx.msk [tilespmem:v0+s10+$0x10 ss:$0x1], $0xffff  }
0x2a8: {  	[tilespmem:s10+$0x149E0] =	vst.add.f32.msk $0xffff, v1  }
0x2a9: {  	v1 =	vld.idx.msk [tilespmem:v0+s10+$0x1F0 ss:$0x1], $0xffff  }
0x2aa: {  	v3 =	vld.idx.msk [tilespmem:v0+s10+$0x50 ss:$0x1], $0xffff  }
0x2ab: {  	v4 =	vld.idx.msk [tilespmem:v0+s10+$0x90 ss:$0x1], $0xffff  }
0x2ac: {  	v5 =	vld.idx.msk [tilespmem:v0+s10+$0xD0 ss:$0x1], $0xffff  }
0x2ad: {  	v6 =	vld.idx.msk [tilespmem:v0+s10+$0x110 ss:$0x1], $0xffff  }
0x2ae: {  	v7 =	vld.idx.msk [tilespmem:v0+s10+$0x150 ss:$0x1], $0xffff  }
0x2af: {  	[tilespmem:s10+$0x149F0] =	vst.add.f32.msk $0xffff, v1  }
0x2b0: {  	v1 =	vld.idx.msk [tilespmem:v0+s10+$0x190 ss:$0x1], $0xffff  }
0x2b1: {  	[tilespmem:s10+$0x14810] =	vst.add.f32.msk $0xffff, v2  }
0x2b2: {  	[tilespmem:s10+$0x14850] =	vst.add.f32.msk $0xffff, v3  }
0x2b3: {  	[tilespmem:s10+$0x14890] =	vst.add.f32.msk $0xffff, v4  }
0x2b4: {  	[tilespmem:s10+$0x148D0] =	vst.add.f32.msk $0xffff, v5  }
0x2b5: {  	[tilespmem:s10+$0x14910] =	vst.add.f32.msk $0xffff, v6  }
0x2b6: {  	[tilespmem:s10+$0x14950] =	vst.add.f32.msk $0xffff, v7  }
0x2b7: {  	[tilespmem:s10+$0x14990] =	vst.add.f32.msk $0xffff, v1  }
0x2b8: {  	v1 =	vld.idx.msk [tilespmem:v0+s10+$0x20 ss:$0x1], $0xffff  }
0x2b9: {  	v2 =	vld.idx.msk [tilespmem:v0+s10+$0x60 ss:$0x1], $0xffff  }
0x2ba: {  	v3 =	vld.idx.msk [tilespmem:v0+s10+$0xA0 ss:$0x1], $0xffff  }
0x2bb: {  	v4 =	vld.idx.msk [tilespmem:v0+s10+$0xE0 ss:$0x1], $0xffff  }
0x2bc: {  	v5 =	vld.idx.msk [tilespmem:v0+s10+$0x120 ss:$0x1], $0xffff  }
0x2bd: {  	v6 =	vld.idx.msk [tilespmem:v0+s10+$0x160 ss:$0x1], $0xffff  }
0x2be: {  	v7 =	vld.idx.msk [tilespmem:v0+s10+$0x1A0 ss:$0x1], $0xffff  }
0x2bf: {  	[tilespmem:s10+$0x14820] =	vst.add.f32.msk $0xffff, v1  }
0x2c0: {  	[tilespmem:s10+$0x14860] =	vst.add.f32.msk $0xffff, v2  }
0x2c1: {  	[tilespmem:s10+$0x148A0] =	vst.add.f32.msk $0xffff, v3  }
0x2c2: {  	[tilespmem:s10+$0x148E0] =	vst.add.f32.msk $0xffff, v4  }
0x2c3: {  	[tilespmem:s10+$0x14920] =	vst.add.f32.msk $0xffff, v5  }
0x2c4: {  	[tilespmem:s10+$0x14960] =	vst.add.f32.msk $0xffff, v6  }
0x2c5: {  	[tilespmem:s10+$0x149A0] =	vst.add.f32.msk $0xffff, v7  }
0x2c6: {  	v2 =	vld.idx.msk [tilespmem:v0+s10+$0x30 ss:$0x1], $0xffff  }
0x2c7: {  	v3 =	vld.idx.msk [tilespmem:v0+s10+$0x70 ss:$0x1], $0xffff  }
0x2c8: {  	v4 =	vld.idx.msk [tilespmem:v0+s10+$0xB0 ss:$0x1], $0xffff  }
0x2c9: {  	v5 =	vld.idx.msk [tilespmem:v0+s10+$0xF0 ss:$0x1], $0xffff  }
0x2ca: {  	v6 =	vld.idx.msk [tilespmem:v0+s10+$0x130 ss:$0x1], $0xffff  }
0x2cb: {  	v7 =	vld.idx.msk [tilespmem:v0+s10+$0x170 ss:$0x1], $0xffff  }
0x2cc: {  	v1 =	vld.idx.msk [tilespmem:v0+s10+$0x1B0 ss:$0x1], $0xffff  }
0x2cd: {  	[tilespmem:s10+$0x14830] =	vst.add.f32.msk $0xffff, v2  }
.Ltmp4:
0x2ce: {  	[tilespmem:s10+$0x14870] =	vst.add.f32.msk $0xffff, v3;
	(pc) =	sbr.rel @p0 .LBB2_11-.Ltmp4, $4  }
0x2cf: {  	[tilespmem:s10+$0x148B0] =	vst.add.f32.msk $0xffff, v4  }
0x2d0: {  	[tilespmem:s10+$0x148F0] =	vst.add.f32.msk $0xffff, v5  }
0x2d1: {  	[tilespmem:s10+$0x14930] =	vst.add.f32.msk $0xffff, v6  }
0x2d2: {  	s12 =	sadd.s32 $0x800, s12;
	[tilespmem:s10+$0x14970] =	vst.add.f32.msk $0xffff, v7  }
0x2d3: {  	s11 =	sadd.s32 s6, s25;
	s13 =	simm.s32 $0x14800;
	s24 =	sadd.s32 $0x1, s24  }
0x2d4: {  	s1 =	sadd.s32 $0xA000, s1;
	s23 =	sadd.s32 $0x280, s23;
	p0 =	sne.s32 s24, $0x28  }
.Ltmp5:
0x2d5: {  	s0 =	sadd.s32 $0xA000, s0;
	s2 =	sadd.s32 $0x280, s2;
	(pc) =	sbr.rel @p0 .LBB2_2-.Ltmp5, $4  }
0x2d6: {  	s9 =	sadd.s32 $0xA000, s9;
	s30 =	sadd.s32 $0x280, s30;
	s11 =	sshll.u32 s11, $0xB  }
0x2d7: {  	s4 =	sadd.s32 $0xA000, s4;
	s31 =	sadd.s32 $0x280, s31;
	s11 =	sand.u32 $0x1FFFF800, s11  }
0x2d8: {  	[tilespmem:s10+$0x149B0] =	vst.add.f32.msk $0xffff, v1;
	s7 =	sadd.s32 $0xA000, s7;
	s8 =	sadd.s32 $0x280, s8;
	s29 =	sadd.s32 s5, s11  }
0x2d9: {  	[hbm4b:s29+s18] =	stream.strided.scatter [tilespmem:s13], [sflag:$0xA], $0x2000, s15, s18, $0x38;
	[tilespmem:$0x16800] =	vst v63  }
0x2da: {  	s0 =	simm.s32 $0x6  }
0x2db: {  	_ =	swait.ge [sflag:s0], $0x2000  }
0x2dc: {  	[sflag:s0] =	ssyncset.done $0x0  }
0x2dd: {  	s28 =	simm.s32 $0x7;
	[sflag:s0] =	ssyncadd.s32 $0xFFFFE000  }
0x2de: {  	_ =	swait.ge [sflag:s28], $0x2000  }
0x2df: {  	[sflag:s28] =	ssyncset.done $0x0  }
0x2e0: {  	s29 =	simm.s32 $0x8;
	[sflag:s28] =	ssyncadd.s32 $0xFFFFE000  }
0x2e1: {  	_ =	swait.ge [sflag:s29], $0x2000  }
0x2e2: {  	[sflag:s29] =	ssyncset.done $0x0  }
0x2e3: {  	s30 =	simm.s32 $0x9;
	[sflag:s29] =	ssyncadd.s32 $0xFFFFE000  }
0x2e4: {  	_ =	swait.ge [sflag:s30], $0x2000  }
0x2e5: {  	[sflag:s30] =	ssyncset.done $0x0  }
0x2e6: {  	s1 =	simm.s32 $0xA;
	[sflag:s30] =	ssyncadd.s32 $0xFFFFE000  }
0x2e7: {  	_ =	swait.ge [sflag:s1], $0x2000  }
0x2e8: {  	s2 =	rddreg [dreg:$0x5]  }
0x2e9: {  	s31 =	rddreg [dreg:$0x4];
	s2 =	sadd.s32 $0x1, s2  }
0x2ea: {  	p0 =	sne.s32 s2, s31  }
.Ltmp6:
0x2eb: {  	_ = 	snop;
	(pc) =	sbr.rel @p0 .LBB2_1-.Ltmp6, $3  }
0x2ec: {  	_ =	sdelay $0x1  }
0x2ed: {  	[sflag:s1] =	ssyncset.done $0x0  }
0x2ee: {  	[sflag:s1] =	ssyncadd.s32 $0xFFFFE000  }
0x2ef: {  	_ =	sfence.sel $0x180000  }
0x2f0: {  	[bflag:$0x0] =	sbarrier.arrive $0xFFFF  }
0x2f1: {  	_ =	strace $0x90000047  }
0x2f2: {  	s0 =	stileid.u32;
	[bflag:$0x2] =	sbarrier.arrive $0xFFFF  }
0x2f3: {  	p0 =	sne.s32 s0, $0x0;
	s0 =	rddreg [dreg:$0x1]  }
0x2f4: {  	s0 =	sadd.s32 @!p0 $0x100000, s0  }
0x2f5: {  	[sflag:s0] =	ssyncadd.tile.s32 @!p0 $0x1;
	_ =	shalt  }
.Lfunc_end2:
_tile_overlayer_lowered:
.L_overlay_start_2:
0x2f6: {  	(tag) =	ssettag $0x2  }
0x2f7: {  	s0 =	rddreg [dreg:$0x0];
	s2 =	stileid.u32  }
0x2f8: {  	s1 =	rddreg [dreg:$0x1];
	p0 =	sne.s32 s2, $0x0  }
0x2f9: {  	s3 =	rddreg [dreg:$0x2];
	[bflag:$0x3] =	sbarrier.arrive $0xFFFF;
	s2 =	simm.s32 @!p0 $0x1C0B  }
0x2fa: {  	[timem:s3], [sflag:s2] =	dma.local @!p0 [hbm:s0], s1  }
0x2fb: {  	s0 =	simm.s32 @!p0 $0xB  }
0x2fc: {  	_ =	swait.ge @!p0 [sflag:s0], s1  }
0x2fd: {  	s1 =	ssub.s32 @!p0 $0x0, s1;
	[sflag:s0] =	ssyncset.done @!p0 $0x0  }
0x2fe: {  	[sflag:s0] =	ssyncadd.s32 @!p0 s1  }
0x2ff: {  	[bflag:$0x3] =	sbarrier.arrive $0xFFFF  }
0x300: {  	_ =	shalt  }

// kernel: sparse-core-data-format-call.cloned.1.call-start
scs
called_computation_lowered:
.L_overlay_start_0:
0x0: {  	s2 =	sld [smem:$0x3FD9]  }
0x1: {  	s3 =	sld [smem:$0x3FFE];
	_ =	sdelay $0x1  }
0x2: {  	s1 =	srdreg.scid  }
0x3: {  	s0 =	sand.u32 $0x1, s1  }
0x4: {  	s18 =	sshll.u32 s0, $0xA;
	s2 =	sadd.s32 s3, s2  }
0x5: {  	s2 =	sadd.s32 s2, s18  }
0x6: {  	[smem:$0x3FC5] =	sst s2  }
0x7: {  	_ = 	snop  }
0x8: {  	s2 =	sld [smem:$0x3FD0];
	(tm) =	ssettm $0x1  }
0x9: {  	s19 =	sld [smem:$0x3FFB];
	_ =	sdelay $0x3  }
0xa: {  	_ =	strace s19  }
0xb: {  	s3 =	sld [smem:$0x3FFC];
	_ =	sdelay $0x3  }
0xc: {  	_ =	strace s3  }
0xd: {  	s3 =	sld [smem:$0x3FFD];
	_ =	sdelay $0x3  }
0xe: {  	_ =	strace s3  }
0xf: {  	_ =	strace $0x8FFFFFFF  }
0x10: {  	s20 =	sld [smem:$0x3FDB];
	_ =	sdelay $0x1  }
0x11: {  	s4 =	simm.s32 $_scs_section_size  }
0x12: {  	s5 =	simm.s32 $_size__tile_overlayer_lowered;
	s6 =	simm.s32 $_tile_overlayer_lowered  }
0x13: {  	s23 =	simm.s32 $0x1BFF;
	s22 =	sshll.u32 s6, $0x1;
	s3 =	sadd.s32 s4, s20  }
0x14: {  	s7 =	simm.s32 $0x0;
	s21 =	sshll.u32 s5, $0x1;
	s5 =	sadd.s32 s22, s3  }
0x15: {  	[timem:s7], [sflag:s23] =	dma.local [hbm:s5], s21  }
0x16: {  	_ =	swait.ge [sflag:s23], s21  }
0x17: {  	s4 =	ssub.s32 $0x0, s21;
	[sflag:s23] =	ssyncset.done $0x0  }
0x18: {  	[sflag:s23] =	ssyncadd.s32 s4;
	_ =	sdelay $0x1  }
0x19: {  	s24 =	simm.s32 $0x1B8B  }
0x1a: {  	_ =	swait.ge [sflag:s24], $0x1  }
0x1b: {  	[sflag:s24] =	ssyncset.done $0x0  }
0x1c: {  	s26 =	simm.s32 $0x1B8E;
	s25 =	sld [smem:$0x3FFE];
	[sflag:s24] =	ssyncadd.s32 $0xFFFFFFFF  }
0x1d: {  	s27 =	simm.s32 $execute0_lowered;
	[smem:$0x3FD2] =	sst s26  }
0x1e: {  	s5 =	sshll.u32 s27, $0x1;
	_ =	strace $0x80000049;
	[dreg:$0x1] =	wrdreg $0xFFFFFFFF  }
0x1f: {  	s28 =	simm.s32 $_size_execute0_lowered;
	s3 =	sadd.s32 s3, s5;
	[dreg:$0x0] =	wrdreg $0x0  }
0x20: {  	s5 =	sshll.u32 s28, $0x1;
	[dreg:$0x2] =	wrdreg s3  }
0x21: {  	[dreg:$0x3] =	wrdreg s5  }
0x22: {  	[dreg:$0x4] =	wrdreg $0xC0  }
0x23: {  	_ =	task [dreg:s7], $0x5FFFF  }
0x24: {  	[dreg:$0x1] =	wrdreg $0xFFFFFFFF  }
0x25: {  	[dreg:$0x0] =	wrdreg $0x60  }
0x26: {  	[dreg:$0x2] =	wrdreg s25  }
0x27: {  	[dreg:$0x3] =	wrdreg s2  }
0x28: {  	[dreg:$0x4] =	wrdreg $0x9  }
0x29: {  	_ =	task.clear_ibuf [dreg:s7], $0x5FFFF;
	_ =	strace $0x90000049  }
0x2a: {  	s29 =	simm.s32 $0x9;
	_ =	strace $0x8000004B  }
0x2b: {  	_ =	swait.ge [sflag:s29], $0x1  }
0x2c: {  	[sflag:s29] =	ssyncadd.s32 $0xFFFFFFFF  }
0x2d: {  	_ =	strace $0x9000004B  }
0x2e: {  	_ =	sfence  }
0x2f: {  	s30 =	sld [smem:$0x0];
	_ =	sdelay $0x2  }
0x30: {  	s31 =	sshll.u32 s1, $0xD;
	s1 =	sshrl.u32 s1, $0x2  }
0x31: {  	s3 =	sand.u32 $0x4000, s31;
	s1 =	sadd.s32 s1, s30  }
0x32: {  	s0 =	sor.u32 s3, s0;
	s1 =	sshll.u32 s1, $0x11  }
0x33: {  	s0 =	sor.u32 s1, s0  }
0x34: {  	s0 =	sadd.s32 $0x8F2B, s0  }
0x35: {  	[sflag:s0] =	ssyncadd.remote.s32 $0x1  }
0x36: {  	_ =	sfence.sel $0xFFFF  }
0x37: {  	[dreg:$0x0] =	wrdreg $0xFFFFFFFF;
	(pc) =	sbr.abs _section_cstart, $3  }
0x38: {  	[dreg:$0x1] =	wrdreg $0xFFFFFFFF  }
0x39: {  	_ =	task.clear_ibuf [dreg:s7], $0x2FFFF;
	_ =	strace $0x9FFFFFFF  }
0x3a: {  	(tm) =	ssettm $0x7FFFFFFF  }
0x3b: {  	_ =	shalt  }
tec
execute0_lowered:
.L_overlay_start_1:
0x0: {  	(tag) =	ssettag $0x1  }
0x1: {  	s0 =	srdreg.scid  }
0x2: {  	s1 =	sshll.u32 s0, $0x4  }
0x3: {  	s0 =	stileid.u32;
	s1 =	sand.u32 $0x10, s1  }
0x4: {  	s1 =	sor.u32 s0, s1  }
0x5: {  	s6 =	rddreg [dreg:$0x0];
	s4 =	simm.s32 $0x1;
	s2 =	sshll.u32 s1, $0x7  }
0x6: {  	s7 =	simm.s32 $0x2;
	s12 =	simm.s32 $0x0;
	s1 =	ssub.s32 $0x1000, s2  }
0x7: {  	s8 =	simm.s32 $0x8000;
	s13 =	simm.s32 $0x0;
	s3 =	sand.u32 $0xF80, s1  }
0x8: {  	s9 =	simm.s32 $0x0;
	s5 =	sshrl.u32 s1, $0xC;
	p0 =	sne.s32 s3, $0x0  }
.Ltmp0:
0x9: {  	s1 =	rddreg [dreg:$0x2];
	s4 =	simm.s32 @!p0 $0x0;
	(pc) =	sbr.rel .LBB1_1-.Ltmp0, $4  }
0xa: {  	s11 =	simm.s32 $0x0;
	s3 =	rddreg [dreg:$0x1];
	s5 =	sadd.s32 s4, s5  }
0xb: {  	_ =	strace $0x8000004A;
	s4 =	simm.s32 $0x1;
	s5 =	smul.u32 $0xC8, s5  }
0xc: {  	s6 =	sadd.s32 $0xDDC00, s6;
	s10 =	smov.u32 s2;
	[sflag:s4] =	ssyncpa.u1 $0x0  }
0xd: {  	p0 =	por $0x0, $0x0;
	[sflag:s7] =	ssyncpa.u1 $0x0;
	s7 =	sor.u32 $0x1, s5  }
.LBB1_4:
0xe: {  	s16 =	sshll.u32 s13, $0x3;
	s17 =	sand.u32 $0x78, s13  }
0xf: {  	s30 =	sand.u32 $0x7E00, s13;
	s12 =	sshll.u32 s12, $0xF;
	s16 =	sand.u32 $0xC00, s16  }
0x10: {  	[tilespmem:s15+$0x810 ss:$0x81] =	vst.msk $0xffff, v2;
	s31 =	sand.u32 $0x7, s13;
	s16 =	sor.u32 s17, s16;
	s17 =	sadd.s32 s3, s30  }
0x11: {  	[tilespmem:s15+$0x1020 ss:$0x81] =	vst.msk $0xffff, v0;
	s13 =	sshll.u32 s31, $0x12;
	s12 =	sadd.s32 s12, s17;
	s16 =	sshrl.u32 s16, $0x3  }
0x12: {  	[tilespmem:s15+$0x0 ss:$0x81] =	vst.msk $0xffff, v1;
	s13 =	sor.u32 $0x400, s13;
	s12 =	sadd.s32 s16, s12  }
0x13: {  	[hbm4b:s12+s13] =	stream.strided.scatter [tilespmem:s14], [sflag:$0x2], $0x2000, s8, s13, $0x20;
	[tilespmem:$0x8080] =	vst v63  }
.LBB1_5:
0x14: {  	s14 =	sadd.s32 $0x1, s9  }
0x15: {  	s12 =	sadd.s32 $0x1000, s10;
	s16 =	smov.u32 s10;
	p2 =	sgt.s32 s14, $0xC7  }
0x16: {  	s16 =	smov.u32 @p2 s12  }
0x17: {  	s14 =	simm.s32 @p2 $0x0;
	p2 =	sgt.s32 s16, $0xFFF  }
0x18: {  	s16 =	smov.u32 @p2 s2;
	p2 =	sne.s32 s11, s7  }
.Ltmp1:
0x19: {  	p1 =	slt.u32 s11, $0x2;
	(pc) =	sbr.rel @!p2 .LBB1_6-.Ltmp1, $4  }
0x1a: {  	s15 =	simm.s32 @!p1 $0x2  }
0x1b: {  	s13 =	smov.u32 s10;
	p0 =	por !p0, !p0;
	_ =	swait.ge @!p1 [sflag:s15], $0x2000  }
0x1c: {  	s12 =	smov.u32 s9;
	[sflag:s15] =	ssyncset.done @!p1 $0x0;
	s9 =	smov.u32 s14  }
0x1d: {  	s11 =	sadd.s32 $0x1, s11;
	[sflag:s15] =	ssyncadd.s32 @!p1 $0xFFFFE000;
	s10 =	smov.u32 s16  }
.LBB1_1:
0x1e: {  	p1 =	sge.u32 s11, s5  }
0x1f: {  	s14 =	sand.u32 @!p1 $0x1FFFFFF, s9  }
0x20: {  	s15 =	smulhi.u32 @!p1 $0x147AE15, s14;
	_ =	sdelay $0x1  }
0x21: {  	s15 =	smul.u32 @!p1 $0xC8, s15  }
0x22: {  	s16 =	sxor.u32 @!p1 $0xFFFFFFFF, s11;
	s17 =	smul.u32 @!p1 $0xC80, s10  }
0x23: {  	s31 =	sadd.s32 $0xFFFFFFFF, s11;
	s16 =	sshll.u32 @!p1 s16, $0xD;
	s14 =	ssub.s32 @!p1 s14, s15  }
0x24: {  	s15 =	sand.u32 @!p1 $0x2000, s16;
	s16 =	sadd.s32 @!p1 s6, s17;
	s14 =	sshll.u32 @!p1 s14, $0x4  }
0x25: {  	s17 =	simm.s32 @!p1 $0x6400;
	s14 =	sadd.s32 @!p1 s14, s16;
	s16 =	simm.s32 @!p1 $0x40  }
0x26: {  	[tilespmem:s15], [sflag:$0x1] =	stream.strided.gather @!p1 [hbm4b:s14+s16], $0x2000, s17, s16, $0x38;
	[tilespmem:$0x8080] =	vst v63  }
0x27: {  	p1 =	sge.u32 s31, s5  }
.Ltmp2:
0x28: {  	_ = 	snop;
	(pc) =	sbr.rel @p1 .LBB1_5-.Ltmp2, $1  }
0x29: {  	_ =	sdelay $0x3  }
0x2a: {  	s14 =	simm.s32 $0x1  }
0x2b: {  	_ =	swait.ge [sflag:s4], $0x2000;
	s14 =	simm.s32 @!p0 $0x0  }
0x2c: {  	[sflag:s4] =	ssyncset.done $0x0;
	s15 =	sshll.u32 s14, $0xD  }
0x2d: {  	[sflag:s4] =	ssyncadd.s32 $0xFFFFE000;
	s18 =	sor.u32 $0x20, s15  }
0x2e: {  	s14 =	smul.u32 $0x8100, s14;
	v3 =	vld [tilespmem:s18+$0x10]  }
0x2f: {  	s30 =	sand.u32 $0x1, s11;
	v2 =	vld [tilespmem:s18+$0xFFFFFFF0]  }
0x30: {  	s15 =	smul.u32 $0x8100, s30;
	s14 =	sshrl.u32 s14, $0x2;
	v0 =	vld [tilespmem:s18+$0x0]  }
0x31: {  	v1 =	vld [tilespmem:s18+$0xFFFFFFE0];
	s16 =	sor.u32 $0x4000, s14  }
0x32: {  	s31 =	sshrl.u32 s15, $0x2;
	s15 =	sadd.s32 $0x0, s16  }
0x33: {  	s17 =	simm.s32 $0x4;
	s18 =	sadd.s32 $0x40, s18;
	s14 =	sor.u32 $0x4000, s31;
	[tilespmem:s15+$0x1830 ss:$0x81] =	vst.msk $0xffff, v3  }
.LBB1_3:
0x34: {  	v3 =	vld [tilespmem:s18+$0x10];
	p1 =	sne.s32 s17, $0x1FC;
	[tilespmem:s15+$0x810 ss:$0x81] =	vst.msk $0xffff, v2;
	s19 =	smov.u32 s17;
	s17 =	sadd.s32 $0x4, s17  }
.Ltmp3:
0x35: {  	v2 =	vld [tilespmem:s18+$0xFFFFFFF0];
	[tilespmem:s15+$0x1020 ss:$0x81] =	vst.msk $0xffff, v0;
	(pc) =	sbr.rel @p1 .LBB1_3-.Ltmp3, $4  }
0x36: {  	v0 =	vld [tilespmem:s18+$0x0];
	[tilespmem:s15+$0x0 ss:$0x81] =	vst.msk $0xffff, v1  }
0x37: {  	s15 =	sshra.s32 s19, $0x2;
	v1 =	vld [tilespmem:s18+$0xFFFFFFE0]  }
0x38: {  	s15 =	sadd.s32 s15, s16  }
0x39: {  	s18 =	sadd.s32 $0x40, s18;
	[tilespmem:s15+$0x1830 ss:$0x81] =	vst.msk $0xffff, v3  }
.Ltmp4:
0x3a: {  	_ = 	snop;
	(pc) =	sbr.rel .LBB1_4-.Ltmp4, $1  }
0x3b: {  	_ =	sdelay $0x3  }
.LBB1_6:
0x3c: {  	_ =	sfence.sel $0x180000  }
0x3d: {  	s2 =	simm.s32 $0x1;
	[bflag:$0x0] =	sbarrier.arrive $0xFFFF  }
0x3e: {  	s31 =	simm.s32 $0x2;
	[sflag:s2] =	ssyncpa.u1 $0x1  }
0x3f: {  	[sflag:s31] =	ssyncpa.u1 $0x1  }
0x40: {  	p0 =	sne.s32 s0, $0x0;
	_ =	strace $0x9000004A  }
0x41: {  	s0 =	sadd.s32 @!p0 $0x100000, s1;
	[bflag:$0x2] =	sbarrier.arrive $0xFFFF  }
0x42: {  	[sflag:s0] =	ssyncadd.tile.s32 @!p0 $0x1;
	_ =	shalt  }
.Lfunc_end1:
_tile_overlayer_lowered:
.L_overlay_start_2:
0x43: {  	(tag) =	ssettag $0x2  }
0x44: {  	s0 =	rddreg [dreg:$0x0];
	s2 =	stileid.u32  }
0x45: {  	s1 =	rddreg [dreg:$0x1];
	p0 =	sne.s32 s2, $0x0  }
0x46: {  	s3 =	rddreg [dreg:$0x2];
	[bflag:$0x3] =	sbarrier.arrive $0xFFFF;
	s2 =	simm.s32 @!p0 $0x1C01  }
0x47: {  	[timem:s3], [sflag:s2] =	dma.local @!p0 [hbm:s0], s1  }
0x48: {  	s0 =	simm.s32 @!p0 $0x1  }
0x49: {  	_ =	swait.ge @!p0 [sflag:s0], s1  }
0x4a: {  	s1 =	ssub.s32 @!p0 $0x0, s1;
	[sflag:s0] =	ssyncset.done @!p0 $0x0  }
0x4b: {  	[sflag:s0] =	ssyncadd.s32 @!p0 s1  }
0x4c: {  	[bflag:$0x3] =	sbarrier.arrive $0xFFFF  }
0x4d: {  	_ =	shalt  }

</sc_bundles>
